<compile_context>
chip_gen: v7x
topology: tpu7x:2x2x1
jax: 0.10.2.dev20260603
libtpu: 0.0.44.dev20260713+nightly
codegen_flags: <defaults>
</compile_context>

<pallas_src>
import functools

import jax
import jax.numpy as jnp
from jax import lax
from jax.experimental import pallas as pl
from jax.experimental.pallas import tpu as pltpu
from jax.experimental.pallas import tpu_sc as plsc

N = 10000
H = 128
E = 160000
NT = 16
EPT = E // NT
CH = 64
CPB = 16
NB = 10
EPTP = NB * CPB * CH
NROW = 632
NPAD = NROW * 16
NTC = 10240
ERPAD = N + 16


def _dense_body(x_ref, w_ref, b_ref, wr0_ref, wr1_ref, a0_ref, a1_ref,
                z_ref, eler_ref):
    h = jnp.dot(x_ref[...], w_ref[...], preferred_element_type=jnp.float32)
    h = h + b_ref[...]
    z0 = jnp.dot(h, wr0_ref[...], preferred_element_type=jnp.float32)
    z1 = jnp.dot(h, wr1_ref[...], preferred_element_type=jnp.float32)
    z_ref[0] = z0
    z_ref[1] = z1
    dn = (((1,), (1,)), ((), ()))
    e0 = lax.dot_general(a0_ref[...], z0, dn,
                         preferred_element_type=jnp.float32)
    e1 = lax.dot_general(a1_ref[...], z1, dn,
                         preferred_element_type=jnp.float32)
    i = pl.program_id(0)
    blk = NTC // 10
    eler_ref[pl.ds(0, 2), pl.ds(i * blk, blk)] = e0
    eler_ref[pl.ds(2, 2), pl.ds(i * blk, blk)] = e1


def _combine_body(o_ref, s_ref, out_ref):
    s0 = jnp.sum(s_ref[0], axis=0)
    s1 = jnp.sum(s_ref[1], axis=0)
    d0 = o_ref[0] / (s0[:, None] + 1e-9)
    d1 = o_ref[1] / (s1[:, None] + 1e-9)
    out_ref[...] = jnp.maximum(d0 + d1, 0.0)


def _edge_body(z0_hbm, z1_hbm, eler_hbm, src_hbm, dst_hbm, out_hbm, s_hbm,
               el_v, er_v, src_b, dst_b, p_b, tmp16,
               s_priv, rows_a, rows_b, gsa, gsb, ssa, ssb, out_shared):
    c = lax.axis_index("c")
    s = lax.axis_index("s")
    io = lax.iota(jnp.int32, 16)
    z16 = jnp.zeros((16,), jnp.float32)

    pltpu.sync_copy(eler_hbm.at[pl.ds((2 * c) * NTC, N)], el_v)
    pltpu.sync_copy(eler_hbm.at[pl.ds((2 * c + 1) * NTC, N)],
                    er_v.at[pl.ds(0, N)])
    er_v[pl.ds(N, 16)] = z16

    def zero_spriv(i, _):
        s_priv[i, pl.ds(0, 16)] = z16
        return _
    lax.fori_loop(0, NROW, zero_spriv, None)

    def zero_rows(j, _):
        for q in range(8):
            rows_a[j, pl.ds(q * 16, 16)] = z16
        return _
    lax.fori_loop(0, CH, zero_rows, None)

    for k in range(NROW // CH):
        pltpu.sync_copy(rows_a, out_shared.at[pl.ds(s * NROW + k * CH, CH)])
    rem = NROW - (NROW // CH) * CH
    if rem:
        pltpu.sync_copy(
            rows_a.at[pl.ds(0, rem)],
            out_shared.at[pl.ds(s * NROW + (NROW // CH) * CH, rem)])

    plsc.subcore_barrier()

    tbase = (c * NT + s) * NB

    def issue_gather(j, R, gs):
        @pl.when(c == 0)
        def _():
            pltpu.async_copy(z0_hbm.at[src_b.at[j]], R, gs)
        @pl.when(c == 1)
        def _():
            pltpu.async_copy(z1_hbm.at[src_b.at[j]], R, gs)

    def process(j, R, gs, ss, Ro, gso, sso):
        pltpu.make_async_copy(z0_hbm.at[src_b.at[j]], R, gs).wait()
        for q in range(CH // 16):
            col = q * 16
            sv = src_b[j, pl.ds(col, 16)]
            dv = dst_b[j, pl.ds(col, 16)]
            e = (plsc.load_gather(el_v, [sv])
                 + plsc.load_gather(er_v, [dv]))
            e = jnp.where(e >= 0.0, e, 0.2 * e)
            p = jnp.exp(e)
            p_b[pl.ds(j * CH + col, 16)] = p
            dsort, psort = plsc.sort_key_val(dv, p)
            tmp16[pl.ds(0, 16)] = dsort
            dprev = plsc.load_gather(tmp16, [jnp.maximum(io - 1, 0)])
            dnext = plsc.load_gather(tmp16, [jnp.minimum(io + 1, 15)])
            bm = (io == 0) | (dsort != dprev)
            em = (io == 15) | (dsort != dnext)
            cs = plsc.cumsum(psort)
            base = plsc.cummax(
                jnp.where(bm, cs - psort, jnp.float32(-3e38)))
            plsc.addupdate_scatter(
                s_priv, [dsort >> 4, dsort & 15], cs - base, mask=em)

        jbase = j * CH
        def scale(jj2, _):
            jj = jj2 * 2
            av0 = plsc.load_gather(p_b, [jnp.full((16,), jbase + jj,
                                                  jnp.int32)])
            av1 = plsc.load_gather(p_b, [jnp.full((16,), jbase + jj + 1,
                                                  jnp.int32)])
            for q in range(8):
                R[jj, pl.ds(q * 16, 16)] = R[jj, pl.ds(q * 16, 16)] * av0
            for q in range(8):
                R[jj + 1, pl.ds(q * 16, 16)] = (
                    R[jj + 1, pl.ds(q * 16, 16)] * av1)
            return _
        lax.fori_loop(0, CH // 2, scale, None)

        pltpu.async_copy(R, out_shared.at[dst_b.at[j]], ss, add=True)

    def block(g, _):
        pltpu.sync_copy(src_hbm.at[tbase + g], src_b)
        pltpu.sync_copy(dst_hbm.at[tbase + g], dst_b)
        issue_gather(0, rows_a, gsa)

        def pair(k, _):
            j0 = 2 * k
            @pl.when(k > 0)
            def _():
                pltpu.make_async_copy(
                    rows_b, out_shared.at[dst_b.at[j0]], ssb).wait()
            issue_gather(j0 + 1, rows_b, gsb)
            process(j0, rows_a, gsa, ssa, rows_b, gsb, ssb)
            pltpu.make_async_copy(
                rows_a, out_shared.at[dst_b.at[j0]], ssa).wait()
            @pl.when(k < CPB // 2 - 1)
            def _():
                issue_gather(j0 + 2, rows_a, gsa)
            process(j0 + 1, rows_b, gsb, ssb, rows_a, gsa, ssa)
            return _
        lax.fori_loop(0, CPB // 2, pair, None)

        pltpu.make_async_copy(
            rows_b, out_shared.at[dst_b.at[0]], ssb).wait()
        return _
    lax.fori_loop(0, NB, block, None)

    pltpu.sync_copy(s_priv, s_hbm.at[c, s])

    plsc.subcore_barrier()

    pltpu.sync_copy(out_shared.at[pl.ds(s * NROW, NROW)],
                    out_hbm.at[c, pl.ds(s * NROW, NROW)])


@functools.cache
def _make_edge_kernel():
    return pl.kernel(
        _edge_body,
        out_type=(jax.ShapeDtypeStruct((2, NPAD, H), jnp.float32),
                  jax.ShapeDtypeStruct((2, NT, NROW, 16), jnp.float32)),
        mesh=plsc.VectorSubcoreMesh(core_axis_name="c", subcore_axis_name="s",
                                    num_cores=2, num_subcores=16),
        compiler_params=pltpu.CompilerParams(needs_layout_passes=False,
                                             use_tc_tiling_on_sc=False),
        scratch_types=[
            pltpu.VMEM((N,), jnp.float32),
            pltpu.VMEM((ERPAD,), jnp.float32),
            pltpu.VMEM((CPB, CH), jnp.int32),
            pltpu.VMEM((CPB, CH), jnp.int32),
            pltpu.VMEM((CPB * CH,), jnp.float32),
            pltpu.VMEM((16,), jnp.int32),
            pltpu.VMEM((NROW, 16), jnp.float32),
            pltpu.VMEM((CH, H), jnp.float32),
            pltpu.VMEM((CH, H), jnp.float32),
            pltpu.SemaphoreType.DMA,
            pltpu.SemaphoreType.DMA,
            pltpu.SemaphoreType.DMA,
            pltpu.SemaphoreType.DMA,
            pltpu.VMEM_SHARED((NPAD, H), jnp.float32),
        ],
    )


@jax.jit
def kernel(x, W_embed, b_embed, Wr0, al0, ar0, Wr1, al1, ar1,
           edge_index0, edge_index1):
    a0 = jnp.stack([al0, ar0])
    a1 = jnp.stack([al1, ar1])
    xp = jnp.pad(x, ((0, NTC - N), (0, 0)))
    z_all, eler = pl.pallas_call(
        _dense_body,
        grid=(10,),
        in_specs=[
            pl.BlockSpec((NTC // 10, H), lambda i: (i, 0)),
            pl.BlockSpec((H, H), lambda i: (0, 0)),
            pl.BlockSpec((1, H), lambda i: (0, 0)),
            pl.BlockSpec((H, H), lambda i: (0, 0)),
            pl.BlockSpec((H, H), lambda i: (0, 0)),
            pl.BlockSpec((2, H), lambda i: (0, 0)),
            pl.BlockSpec((2, H), lambda i: (0, 0)),
        ],
        out_specs=[
            pl.BlockSpec((2, NTC // 10, H), lambda i: (0, i, 0)),
            pl.BlockSpec((4, NTC), lambda i: (0, 0)),
        ],
        out_shape=[
            jax.ShapeDtypeStruct((2, NTC, H), jnp.float32),
            jax.ShapeDtypeStruct((4, NTC), jnp.float32),
        ],
    )(xp, W_embed, b_embed.reshape(1, H), Wr0, Wr1, a0, a1)

    src_all = jnp.stack([edge_index0[0], edge_index1[0]]).astype(jnp.int32)
    dst_all = jnp.stack([edge_index0[1], edge_index1[1]]).astype(jnp.int32)
    src_p = jnp.pad(src_all.reshape(2, NT, EPT),
                    ((0, 0), (0, 0), (0, EPTP - EPT)))
    dst_p = jnp.pad(dst_all.reshape(2, NT, EPT),
                    ((0, 0), (0, 0), (0, EPTP - EPT)), constant_values=N)
    src3 = src_p.reshape(2 * NT * NB, CPB, CH)
    dst3 = dst_p.reshape(2 * NT * NB, CPB, CH)
    eler_flat = eler.reshape(-1)
    out_all, s_all = _make_edge_kernel()(
        z_all[0], z_all[1], eler_flat, src3, dst3)

    out_p = jnp.pad(out_all, ((0, 0), (0, NTC - NPAD), (0, 0)))
    s2 = jnp.pad(s_all.reshape(2, NT, NPAD), ((0, 0), (0, 0), (0, NTC - NPAD)))
    out = pl.pallas_call(
        _combine_body,
        grid=(10,),
        in_specs=[
            pl.BlockSpec((2, NTC // 10, H), lambda i: (0, i, 0)),
            pl.BlockSpec((2, NT, NTC // 10), lambda i: (0, 0, i)),
        ],
        out_specs=pl.BlockSpec((NTC // 10, H), lambda i: (i, 0)),
        out_shape=jax.ShapeDtypeStruct((NTC, H), jnp.float32),
    )(out_p, s2)
    return out[:N]

# --- scband reference (transcript-rebuilt; emitter-appended) ---
"""Pipeline reference for scband-encoder-rel-graph-attention-hetero-79104707658481 (READ-ONLY COPY).

The authoritative reference and input builder live on the scoring server;
editing this copy changes nothing except your own understanding.
"""

import jax, jax.numpy as jnp
import numpy as np

N = 10000
D_IN = 128
H = 128
E = 160000


def _gat_rel(h, W, al, ar, src, dst, n):
    z = h @ W                               # [N, H]
    el = (z * al).sum(-1)                   # [N]
    er = (z * ar).sum(-1)                   # [N]
    e = jax.nn.leaky_relu(el[src] + er[dst], 0.2)   # [E]
    m = jax.ops.segment_max(e, dst, num_segments=n)
    e = jnp.exp(e - m[dst])
    s = jax.ops.segment_sum(e, dst, num_segments=n)
    alpha = e / (s[dst] + 1e-9)
    msg = z[src] * alpha[:, None]           # gather + weight
    return jax.ops.segment_sum(msg, dst, num_segments=n)  # scatter-add


def setup_inputs(seed: int = 0) -> dict:
    key = jax.random.key(seed)
    ks = jax.random.split(key, 12)
    x = jax.random.normal(ks[0], (N, D_IN), dtype=jnp.float32)
    edge_index0 = jax.random.randint(ks[1], (2, E), 0, N, dtype=jnp.int64)
    edge_index1 = jax.random.randint(ks[2], (2, E), 0, N, dtype=jnp.int64)
    W_embed = jax.random.normal(ks[3], (D_IN, H), dtype=jnp.float32) * 0.05
    b_embed = jnp.zeros((H,), dtype=jnp.float32)
    Wr0 = jax.random.normal(ks[4], (H, H), dtype=jnp.float32) * 0.05
    al0 = jax.random.normal(ks[5], (H,), dtype=jnp.float32) * 0.05
    ar0 = jax.random.normal(ks[6], (H,), dtype=jnp.float32) * 0.05
    Wr1 = jax.random.normal(ks[7], (H, H), dtype=jnp.float32) * 0.05
    al1 = jax.random.normal(ks[8], (H,), dtype=jnp.float32) * 0.05
    ar1 = jax.random.normal(ks[9], (H,), dtype=jnp.float32) * 0.05
    return {
        "x": x,
        "W_embed": W_embed,
        "b_embed": b_embed,
        "Wr0": Wr0, "al0": al0, "ar0": ar0,
        "Wr1": Wr1, "al1": al1, "ar1": ar1,
        "edge_index0": edge_index0,
        "edge_index1": edge_index1,
    }


def reference(x, W_embed, b_embed, Wr0, al0, ar0, Wr1, al1, ar1, edge_index0, edge_index1):
    # EmbeddingLayer: per-ntype Linear(in_size -> h_dim)
    h = x @ W_embed + b_embed
    # One RelGraphAttentionHetero layer: per-relation GAT, summed across relations,
    # ReLU activation (dropout=0, self_loop=False)
    out0 = _gat_rel(h, Wr0, al0, ar0, edge_index0[0], edge_index0[1], N)
    out1 = _gat_rel(h, Wr1, al1, ar1, edge_index1[0], edge_index1[1], N)
    return jax.nn.relu(out0 + out1)

if __name__ == "__main__":
    import jax
    _d = setup_inputs()
    print(jax.jit(kernel)(*tuple(_d.values())))

</pallas_src>

<mosaic_0001>
#map = affine_map<(d0, d1) -> (0, 0)>
#map1 = affine_map<(d0, d1) -> (0)>
#map2 = affine_map<(d0, d1) -> (0, 0, 0)>
#map3 = affine_map<(d0, d1) -> (0, 0, 0, 0)>
module attributes {stable_mosaic.version = 14 : i64} {
  func.func @_edge_body(%arg0: i32, %arg1: i32, %arg2: memref<10240x128xf32, #tpu.memory_space<hbm>>, %arg3: memref<10240x128xf32, #tpu.memory_space<hbm>>, %arg4: memref<40960xf32, #tpu.memory_space<hbm>>, %arg5: memref<320x16x64xi32, #tpu.memory_space<hbm>>, %arg6: memref<320x16x64xi32, #tpu.memory_space<hbm>>, %arg7: memref<2x10112x128xf32, #tpu.memory_space<hbm>>, %arg8: memref<2x16x632x16xf32, #tpu.memory_space<hbm>>, %arg9: memref<10000xf32, #tpu.memory_space<vmem>>, %arg10: memref<10016xf32, #tpu.memory_space<vmem>>, %arg11: memref<16x64xi32, #tpu.memory_space<vmem>>, %arg12: memref<16x64xi32, #tpu.memory_space<vmem>>, %arg13: memref<1024xf32, #tpu.memory_space<vmem>>, %arg14: memref<16xi32, #tpu.memory_space<vmem>>, %arg15: memref<632x16xf32, #tpu.memory_space<vmem>>, %arg16: memref<64x128xf32, #tpu.memory_space<vmem>>, %arg17: memref<64x128xf32, #tpu.memory_space<vmem>>, %arg18: memref<!tpu.dma_semaphore, #tpu.memory_space<semaphore_mem>>, %arg19: memref<!tpu.dma_semaphore, #tpu.memory_space<semaphore_mem>>, %arg20: memref<!tpu.dma_semaphore, #tpu.memory_space<semaphore_mem>>, %arg21: memref<!tpu.dma_semaphore, #tpu.memory_space<semaphore_mem>>, %arg22: memref<10112x128xf32, #tpu.memory_space<vmem_shared>>) attributes {dimension_semantics = [#tpu.dimension_semantics<core_parallel>, #tpu.dimension_semantics<subcore_parallel>], iteration_bounds = array<i64: 2, 16>, scalar_prefetch = 0 : i64, scratch_operands = 14 : i64, tpu.core_type = #tpu.core_type<sc_vector_subcore>, window_params = [{transform_indices = #map}, {transform_indices = #map}, {transform_indices = #map1}, {transform_indices = #map2}, {transform_indices = #map2}, {transform_indices = #map2}, {transform_indices = #map3}]} {
    %iota3A = tpu.iota {dimensions = array<i32: 0>} : vector<16xi32>
    %broadcast_in_dim3A = arith.constant 0.000000e+00 : f32
    %broadcast_in_dim3A_0 = vector.broadcast %broadcast_in_dim3A : f32 to vector<16xf32>
    %mul3A = arith.constant 2 : i32
    %mul3A_1 = arith.muli %mul3A, %arg0 : i32
    %mul3A_2 = arith.constant 10240 : i32
    %mul3A_3 = arith.muli %mul3A_1, %mul3A_2 : i32
    "tpu.region"() ({
      %run_scoped3A = tpu.sem_alloc : memref<!tpu.dma_semaphore, #tpu.memory_space<semaphore_mem>>
      %dma_start3A = tpu.memref_slice %arg4[%mul3A_3] : memref<40960xf32, #tpu.memory_space<hbm>> -> memref<10000xf32, #tpu.memory_space<hbm>>
      %dma_start3A_74 = tpu.memref_slice %arg4[%mul3A_3] : memref<40960xf32, #tpu.memory_space<hbm>> -> memref<10000xf32, #tpu.memory_space<hbm>>
      tpu.enqueue_dma source(%dma_start3A_74 : memref<10000xf32, #tpu.memory_space<hbm>>) target(%arg9 : memref<10000xf32, #tpu.memory_space<vmem>>) target_semaphore(%run_scoped3A : memref<!tpu.dma_semaphore, #tpu.memory_space<semaphore_mem>>)
      %dma_wait3A = tpu.memref_slice %arg4[%mul3A_3] : memref<40960xf32, #tpu.memory_space<hbm>> -> memref<10000xf32, #tpu.memory_space<hbm>>
      %dma_wait3A_75 = tpu.memref_slice %arg4[%mul3A_3] : memref<40960xf32, #tpu.memory_space<hbm>> -> memref<10000xf32, #tpu.memory_space<hbm>>
      tpu.wait_dma2 semaphore(%run_scoped3A : memref<!tpu.dma_semaphore, #tpu.memory_space<semaphore_mem>>) src(%dma_wait3A_75 : memref<10000xf32, #tpu.memory_space<hbm>>) dst(%arg9 : memref<10000xf32, #tpu.memory_space<vmem>>)
      tpu.yield
    }) : () -> ()
    %mul3A_4 = arith.constant 2 : i32
    %mul3A_5 = arith.muli %mul3A_4, %arg0 : i32
    %add3A = arith.constant 1 : i32
    %add3A_6 = arith.addi %mul3A_5, %add3A : i32
    %mul3A_7 = arith.constant 10240 : i32
    %mul3A_8 = arith.muli %add3A_6, %mul3A_7 : i32
    "tpu.region"() ({
      %run_scoped3A = tpu.sem_alloc : memref<!tpu.dma_semaphore, #tpu.memory_space<semaphore_mem>>
      %dma_start3A = arith.constant 0 : i32
      %dma_start3A_74 = tpu.memref_slice %arg10[%dma_start3A] : memref<10016xf32, #tpu.memory_space<vmem>> -> memref<10000xf32, #tpu.memory_space<vmem>>
      %dma_start3A_75 = tpu.memref_slice %arg4[%mul3A_8] : memref<40960xf32, #tpu.memory_space<hbm>> -> memref<10000xf32, #tpu.memory_space<hbm>>
      %dma_start3A_76 = arith.constant 0 : i32
      %dma_start3A_77 = tpu.memref_slice %arg10[%dma_start3A_76] : memref<10016xf32, #tpu.memory_space<vmem>> -> memref<10000xf32, #tpu.memory_space<vmem>>
      %dma_start3A_78 = tpu.memref_slice %arg4[%mul3A_8] : memref<40960xf32, #tpu.memory_space<hbm>> -> memref<10000xf32, #tpu.memory_space<hbm>>
      tpu.enqueue_dma source(%dma_start3A_78 : memref<10000xf32, #tpu.memory_space<hbm>>) target(%dma_start3A_77 : memref<10000xf32, #tpu.memory_space<vmem>>) target_semaphore(%run_scoped3A : memref<!tpu.dma_semaphore, #tpu.memory_space<semaphore_mem>>)
      %dma_wait3A = arith.constant 0 : i32
      %dma_wait3A_79 = tpu.memref_slice %arg10[%dma_wait3A] : memref<10016xf32, #tpu.memory_space<vmem>> -> memref<10000xf32, #tpu.memory_space<vmem>>
      %dma_wait3A_80 = tpu.memref_slice %arg4[%mul3A_8] : memref<40960xf32, #tpu.memory_space<hbm>> -> memref<10000xf32, #tpu.memory_space<hbm>>
      %dma_wait3A_81 = arith.constant 0 : i32
      %dma_wait3A_82 = tpu.memref_slice %arg10[%dma_wait3A_81] : memref<10016xf32, #tpu.memory_space<vmem>> -> memref<10000xf32, #tpu.memory_space<vmem>>
      %dma_wait3A_83 = tpu.memref_slice %arg4[%mul3A_8] : memref<40960xf32, #tpu.memory_space<hbm>> -> memref<10000xf32, #tpu.memory_space<hbm>>
      tpu.wait_dma2 semaphore(%run_scoped3A : memref<!tpu.dma_semaphore, #tpu.memory_space<semaphore_mem>>) src(%dma_wait3A_83 : memref<10000xf32, #tpu.memory_space<hbm>>) dst(%dma_wait3A_82 : memref<10000xf32, #tpu.memory_space<vmem>>)
      tpu.yield
    }) : () -> ()
    %swap3A = arith.constant 10000 : index
    %swap3A_9 = tpu.vector_load %arg10[%swap3A] {strides = array<i32>} : memref<10016xf32, #tpu.memory_space<vmem>>, vector<16xf32>,
    tpu.vector_store %arg10[%swap3A], %broadcast_in_dim3A_0 {strides = array<i32>} : memref<10016xf32, #tpu.memory_space<vmem>>, vector<16xf32>,
    %scan3A = arith.constant 0 : i32
    %scan3A_10 = arith.constant 632 : i32
    %scan3A_11 = arith.addi %scan3A, %scan3A_10 : i32
    %scan3A_12 = arith.constant 1 : i32
    scf.for %scan3A_74 = %scan3A to %scan3A_11 step %scan3A_12  : i32 {
      %swap3A_75 = arith.index_cast %scan3A_74 : i32 to index
      %swap3A_76 = arith.constant 0 : index
      %swap3A_77 = tpu.vector_load %arg15[%swap3A_75, %swap3A_76] {strides = array<i32>} : memref<632x16xf32, #tpu.memory_space<vmem>>, vector<16xf32>,
      tpu.vector_store %arg15[%swap3A_75, %swap3A_76], %broadcast_in_dim3A_0 {strides = array<i32>} : memref<632x16xf32, #tpu.memory_space<vmem>>, vector<16xf32>,
    }
    %scan3A_13 = arith.constant 632 : i32
    %scan3A_14 = arith.constant 0 : i32
    %scan3A_15 = arith.constant 64 : i32
    %scan3A_16 = arith.addi %scan3A_14, %scan3A_15 : i32
    %scan3A_17 = arith.constant 1 : i32
    scf.for %scan3A_74 = %scan3A_14 to %scan3A_16 step %scan3A_17  : i32 {
      %swap3A_75 = arith.index_cast %scan3A_74 : i32 to index
      %swap3A_76 = arith.constant 0 : index
      %swap3A_77 = tpu.vector_load %arg16[%swap3A_75, %swap3A_76] {strides = array<i32>} : memref<64x128xf32, #tpu.memory_space<vmem>>, vector<16xf32>,
      tpu.vector_store %arg16[%swap3A_75, %swap3A_76], %broadcast_in_dim3A_0 {strides = array<i32>} : memref<64x128xf32, #tpu.memory_space<vmem>>, vector<16xf32>,
      %swap3A_78 = arith.index_cast %scan3A_74 : i32 to index
      %swap3A_79 = arith.constant 16 : index
      %swap3A_80 = tpu.vector_load %arg16[%swap3A_78, %swap3A_79] {strides = array<i32>} : memref<64x128xf32, #tpu.memory_space<vmem>>, vector<16xf32>,
      tpu.vector_store %arg16[%swap3A_78, %swap3A_79], %broadcast_in_dim3A_0 {strides = array<i32>} : memref<64x128xf32, #tpu.memory_space<vmem>>, vector<16xf32>,
      %swap3A_81 = arith.index_cast %scan3A_74 : i32 to index
      %swap3A_82 = arith.constant 32 : index
      %swap3A_83 = tpu.vector_load %arg16[%swap3A_81, %swap3A_82] {strides = array<i32>} : memref<64x128xf32, #tpu.memory_space<vmem>>, vector<16xf32>,
      tpu.vector_store %arg16[%swap3A_81, %swap3A_82], %broadcast_in_dim3A_0 {strides = array<i32>} : memref<64x128xf32, #tpu.memory_space<vmem>>, vector<16xf32>,
      %swap3A_84 = arith.index_cast %scan3A_74 : i32 to index
      %swap3A_85 = arith.constant 48 : index
      %swap3A_86 = tpu.vector_load %arg16[%swap3A_84, %swap3A_85] {strides = array<i32>} : memref<64x128xf32, #tpu.memory_space<vmem>>, vector<16xf32>,
      tpu.vector_store %arg16[%swap3A_84, %swap3A_85], %broadcast_in_dim3A_0 {strides = array<i32>} : memref<64x128xf32, #tpu.memory_space<vmem>>, vector<16xf32>,
      %swap3A_87 = arith.index_cast %scan3A_74 : i32 to index
      %swap3A_88 = arith.constant 64 : index
      %swap3A_89 = tpu.vector_load %arg16[%swap3A_87, %swap3A_88] {strides = array<i32>} : memref<64x128xf32, #tpu.memory_space<vmem>>, vector<16xf32>,
      tpu.vector_store %arg16[%swap3A_87, %swap3A_88], %broadcast_in_dim3A_0 {strides = array<i32>} : memref<64x128xf32, #tpu.memory_space<vmem>>, vector<16xf32>,
      %swap3A_90 = arith.index_cast %scan3A_74 : i32 to index
      %swap3A_91 = arith.constant 80 : index
      %swap3A_92 = tpu.vector_load %arg16[%swap3A_90, %swap3A_91] {strides = array<i32>} : memref<64x128xf32, #tpu.memory_space<vmem>>, vector<16xf32>,
      tpu.vector_store %arg16[%swap3A_90, %swap3A_91], %broadcast_in_dim3A_0 {strides = array<i32>} : memref<64x128xf32, #tpu.memory_space<vmem>>, vector<16xf32>,
      %swap3A_93 = arith.index_cast %scan3A_74 : i32 to index
      %swap3A_94 = arith.constant 96 : index
      %swap3A_95 = tpu.vector_load %arg16[%swap3A_93, %swap3A_94] {strides = array<i32>} : memref<64x128xf32, #tpu.memory_space<vmem>>, vector<16xf32>,
      tpu.vector_store %arg16[%swap3A_93, %swap3A_94], %broadcast_in_dim3A_0 {strides = array<i32>} : memref<64x128xf32, #tpu.memory_space<vmem>>, vector<16xf32>,
      %swap3A_96 = arith.index_cast %scan3A_74 : i32 to index
      %swap3A_97 = arith.constant 112 : index
      %swap3A_98 = tpu.vector_load %arg16[%swap3A_96, %swap3A_97] {strides = array<i32>} : memref<64x128xf32, #tpu.memory_space<vmem>>, vector<16xf32>,
      tpu.vector_store %arg16[%swap3A_96, %swap3A_97], %broadcast_in_dim3A_0 {strides = array<i32>} : memref<64x128xf32, #tpu.memory_space<vmem>>, vector<16xf32>,
    }
    %scan3A_18 = arith.constant 64 : i32
    %mul3A_19 = arith.constant 632 : i32
    %mul3A_20 = arith.muli %arg1, %mul3A_19 : i32
    %add3A_21 = arith.constant 0 : i32
    %add3A_22 = arith.addi %mul3A_20, %add3A_21 : i32
    "tpu.region"() ({
      %run_scoped3A = tpu.sem_alloc : memref<!tpu.dma_semaphore, #tpu.memory_space<semaphore_mem>>
      %dma_start3A = arith.constant 0 : i32
      %dma_start3A_74 = tpu.memref_slice %arg22[%add3A_22, %dma_start3A] : memref<10112x128xf32, #tpu.memory_space<vmem_shared>> -> memref<64x128xf32, #tpu.memory_space<vmem_shared>>
      %dma_start3A_75 = arith.constant 0 : i32
      %dma_start3A_76 = tpu.memref_slice %arg22[%add3A_22, %dma_start3A_75] : memref<10112x128xf32, #tpu.memory_space<vmem_shared>> -> memref<64x128xf32, #tpu.memory_space<vmem_shared>>
      tpu.enqueue_dma source(%arg16 : memref<64x128xf32, #tpu.memory_space<vmem>>) target(%dma_start3A_76 : memref<64x128xf32, #tpu.memory_space<vmem_shared>>) target_semaphore(%run_scoped3A : memref<!tpu.dma_semaphore, #tpu.memory_space<semaphore_mem>>)
      %dma_wait3A = arith.constant 0 : i32
      %dma_wait3A_77 = tpu.memref_slice %arg22[%add3A_22, %dma_wait3A] : memref<10112x128xf32, #tpu.memory_space<vmem_shared>> -> memref<64x128xf32, #tpu.memory_space<vmem_shared>>
      %dma_wait3A_78 = arith.constant 0 : i32
      %dma_wait3A_79 = tpu.memref_slice %arg22[%add3A_22, %dma_wait3A_78] : memref<10112x128xf32, #tpu.memory_space<vmem_shared>> -> memref<64x128xf32, #tpu.memory_space<vmem_shared>>
      tpu.wait_dma2 semaphore(%run_scoped3A : memref<!tpu.dma_semaphore, #tpu.memory_space<semaphore_mem>>) src(%arg16 : memref<64x128xf32, #tpu.memory_space<vmem>>) dst(%dma_wait3A_79 : memref<64x128xf32, #tpu.memory_space<vmem_shared>>)
      tpu.yield
    }) : () -> ()
    %mul3A_23 = arith.constant 632 : i32
    %mul3A_24 = arith.muli %arg1, %mul3A_23 : i32
    %add3A_25 = arith.constant 64 : i32
    %add3A_26 = arith.addi %mul3A_24, %add3A_25 : i32
    "tpu.region"() ({
      %run_scoped3A = tpu.sem_alloc : memref<!tpu.dma_semaphore, #tpu.memory_space<semaphore_mem>>
      %dma_start3A = arith.constant 0 : i32
      %dma_start3A_74 = tpu.memref_slice %arg22[%add3A_26, %dma_start3A] : memref<10112x128xf32, #tpu.memory_space<vmem_shared>> -> memref<64x128xf32, #tpu.memory_space<vmem_shared>>
      %dma_start3A_75 = arith.constant 0 : i32
      %dma_start3A_76 = tpu.memref_slice %arg22[%add3A_26, %dma_start3A_75] : memref<10112x128xf32, #tpu.memory_space<vmem_shared>> -> memref<64x128xf32, #tpu.memory_space<vmem_shared>>
      tpu.enqueue_dma source(%arg16 : memref<64x128xf32, #tpu.memory_space<vmem>>) target(%dma_start3A_76 : memref<64x128xf32, #tpu.memory_space<vmem_shared>>) target_semaphore(%run_scoped3A : memref<!tpu.dma_semaphore, #tpu.memory_space<semaphore_mem>>)
      %dma_wait3A = arith.constant 0 : i32
      %dma_wait3A_77 = tpu.memref_slice %arg22[%add3A_26, %dma_wait3A] : memref<10112x128xf32, #tpu.memory_space<vmem_shared>> -> memref<64x128xf32, #tpu.memory_space<vmem_shared>>
      %dma_wait3A_78 = arith.constant 0 : i32
      %dma_wait3A_79 = tpu.memref_slice %arg22[%add3A_26, %dma_wait3A_78] : memref<10112x128xf32, #tpu.memory_space<vmem_shared>> -> memref<64x128xf32, #tpu.memory_space<vmem_shared>>
      tpu.wait_dma2 semaphore(%run_scoped3A : memref<!tpu.dma_semaphore, #tpu.memory_space<semaphore_mem>>) src(%arg16 : memref<64x128xf32, #tpu.memory_space<vmem>>) dst(%dma_wait3A_79 : memref<64x128xf32, #tpu.memory_space<vmem_shared>>)
      tpu.yield
    }) : () -> ()
    %mul3A_27 = arith.constant 632 : i32
    %mul3A_28 = arith.muli %arg1, %mul3A_27 : i32
    %add3A_29 = arith.constant 128 : i32
    %add3A_30 = arith.addi %mul3A_28, %add3A_29 : i32
    "tpu.region"() ({
      %run_scoped3A = tpu.sem_alloc : memref<!tpu.dma_semaphore, #tpu.memory_space<semaphore_mem>>
      %dma_start3A = arith.constant 0 : i32
      %dma_start3A_74 = tpu.memref_slice %arg22[%add3A_30, %dma_start3A] : memref<10112x128xf32, #tpu.memory_space<vmem_shared>> -> memref<64x128xf32, #tpu.memory_space<vmem_shared>>
      %dma_start3A_75 = arith.constant 0 : i32
      %dma_start3A_76 = tpu.memref_slice %arg22[%add3A_30, %dma_start3A_75] : memref<10112x128xf32, #tpu.memory_space<vmem_shared>> -> memref<64x128xf32, #tpu.memory_space<vmem_shared>>
      tpu.enqueue_dma source(%arg16 : memref<64x128xf32, #tpu.memory_space<vmem>>) target(%dma_start3A_76 : memref<64x128xf32, #tpu.memory_space<vmem_shared>>) target_semaphore(%run_scoped3A : memref<!tpu.dma_semaphore, #tpu.memory_space<semaphore_mem>>)
      %dma_wait3A = arith.constant 0 : i32
      %dma_wait3A_77 = tpu.memref_slice %arg22[%add3A_30, %dma_wait3A] : memref<10112x128xf32, #tpu.memory_space<vmem_shared>> -> memref<64x128xf32, #tpu.memory_space<vmem_shared>>
      %dma_wait3A_78 = arith.constant 0 : i32
      %dma_wait3A_79 = tpu.memref_slice %arg22[%add3A_30, %dma_wait3A_78] : memref<10112x128xf32, #tpu.memory_space<vmem_shared>> -> memref<64x128xf32, #tpu.memory_space<vmem_shared>>
      tpu.wait_dma2 semaphore(%run_scoped3A : memref<!tpu.dma_semaphore, #tpu.memory_space<semaphore_mem>>) src(%arg16 : memref<64x128xf32, #tpu.memory_space<vmem>>) dst(%dma_wait3A_79 : memref<64x128xf32, #tpu.memory_space<vmem_shared>>)
      tpu.yield
    }) : () -> ()
    %mul3A_31 = arith.constant 632 : i32
    %mul3A_32 = arith.muli %arg1, %mul3A_31 : i32
    %add3A_33 = arith.constant 192 : i32
    %add3A_34 = arith.addi %mul3A_32, %add3A_33 : i32
    "tpu.region"() ({
      %run_scoped3A = tpu.sem_alloc : memref<!tpu.dma_semaphore, #tpu.memory_space<semaphore_mem>>
      %dma_start3A = arith.constant 0 : i32
      %dma_start3A_74 = tpu.memref_slice %arg22[%add3A_34, %dma_start3A] : memref<10112x128xf32, #tpu.memory_space<vmem_shared>> -> memref<64x128xf32, #tpu.memory_space<vmem_shared>>
      %dma_start3A_75 = arith.constant 0 : i32
      %dma_start3A_76 = tpu.memref_slice %arg22[%add3A_34, %dma_start3A_75] : memref<10112x128xf32, #tpu.memory_space<vmem_shared>> -> memref<64x128xf32, #tpu.memory_space<vmem_shared>>
      tpu.enqueue_dma source(%arg16 : memref<64x128xf32, #tpu.memory_space<vmem>>) target(%dma_start3A_76 : memref<64x128xf32, #tpu.memory_space<vmem_shared>>) target_semaphore(%run_scoped3A : memref<!tpu.dma_semaphore, #tpu.memory_space<semaphore_mem>>)
      %dma_wait3A = arith.constant 0 : i32
      %dma_wait3A_77 = tpu.memref_slice %arg22[%add3A_34, %dma_wait3A] : memref<10112x128xf32, #tpu.memory_space<vmem_shared>> -> memref<64x128xf32, #tpu.memory_space<vmem_shared>>
      %dma_wait3A_78 = arith.constant 0 : i32
      %dma_wait3A_79 = tpu.memref_slice %arg22[%add3A_34, %dma_wait3A_78] : memref<10112x128xf32, #tpu.memory_space<vmem_shared>> -> memref<64x128xf32, #tpu.memory_space<vmem_shared>>
      tpu.wait_dma2 semaphore(%run_scoped3A : memref<!tpu.dma_semaphore, #tpu.memory_space<semaphore_mem>>) src(%arg16 : memref<64x128xf32, #tpu.memory_space<vmem>>) dst(%dma_wait3A_79 : memref<64x128xf32, #tpu.memory_space<vmem_shared>>)
      tpu.yield
    }) : () -> ()
    %mul3A_35 = arith.constant 632 : i32
    %mul3A_36 = arith.muli %arg1, %mul3A_35 : i32
    %add3A_37 = arith.constant 256 : i32
    %add3A_38 = arith.addi %mul3A_36, %add3A_37 : i32
    "tpu.region"() ({
      %run_scoped3A = tpu.sem_alloc : memref<!tpu.dma_semaphore, #tpu.memory_space<semaphore_mem>>
      %dma_start3A = arith.constant 0 : i32
      %dma_start3A_74 = tpu.memref_slice %arg22[%add3A_38, %dma_start3A] : memref<10112x128xf32, #tpu.memory_space<vmem_shared>> -> memref<64x128xf32, #tpu.memory_space<vmem_shared>>
      %dma_start3A_75 = arith.constant 0 : i32
      %dma_start3A_76 = tpu.memref_slice %arg22[%add3A_38, %dma_start3A_75] : memref<10112x128xf32, #tpu.memory_space<vmem_shared>> -> memref<64x128xf32, #tpu.memory_space<vmem_shared>>
      tpu.enqueue_dma source(%arg16 : memref<64x128xf32, #tpu.memory_space<vmem>>) target(%dma_start3A_76 : memref<64x128xf32, #tpu.memory_space<vmem_shared>>) target_semaphore(%run_scoped3A : memref<!tpu.dma_semaphore, #tpu.memory_space<semaphore_mem>>)
      %dma_wait3A = arith.constant 0 : i32
      %dma_wait3A_77 = tpu.memref_slice %arg22[%add3A_38, %dma_wait3A] : memref<10112x128xf32, #tpu.memory_space<vmem_shared>> -> memref<64x128xf32, #tpu.memory_space<vmem_shared>>
      %dma_wait3A_78 = arith.constant 0 : i32
      %dma_wait3A_79 = tpu.memref_slice %arg22[%add3A_38, %dma_wait3A_78] : memref<10112x128xf32, #tpu.memory_space<vmem_shared>> -> memref<64x128xf32, #tpu.memory_space<vmem_shared>>
      tpu.wait_dma2 semaphore(%run_scoped3A : memref<!tpu.dma_semaphore, #tpu.memory_space<semaphore_mem>>) src(%arg16 : memref<64x128xf32, #tpu.memory_space<vmem>>) dst(%dma_wait3A_79 : memref<64x128xf32, #tpu.memory_space<vmem_shared>>)
      tpu.yield
    }) : () -> ()
    %mul3A_39 = arith.constant 632 : i32
    %mul3A_40 = arith.muli %arg1, %mul3A_39 : i32
    %add3A_41 = arith.constant 320 : i32
    %add3A_42 = arith.addi %mul3A_40, %add3A_41 : i32
    "tpu.region"() ({
      %run_scoped3A = tpu.sem_alloc : memref<!tpu.dma_semaphore, #tpu.memory_space<semaphore_mem>>
      %dma_start3A = arith.constant 0 : i32
      %dma_start3A_74 = tpu.memref_slice %arg22[%add3A_42, %dma_start3A] : memref<10112x128xf32, #tpu.memory_space<vmem_shared>> -> memref<64x128xf32, #tpu.memory_space<vmem_shared>>
      %dma_start3A_75 = arith.constant 0 : i32
      %dma_start3A_76 = tpu.memref_slice %arg22[%add3A_42, %dma_start3A_75] : memref<10112x128xf32, #tpu.memory_space<vmem_shared>> -> memref<64x128xf32, #tpu.memory_space<vmem_shared>>
      tpu.enqueue_dma source(%arg16 : memref<64x128xf32, #tpu.memory_space<vmem>>) target(%dma_start3A_76 : memref<64x128xf32, #tpu.memory_space<vmem_shared>>) target_semaphore(%run_scoped3A : memref<!tpu.dma_semaphore, #tpu.memory_space<semaphore_mem>>)
      %dma_wait3A = arith.constant 0 : i32
      %dma_wait3A_77 = tpu.memref_slice %arg22[%add3A_42, %dma_wait3A] : memref<10112x128xf32, #tpu.memory_space<vmem_shared>> -> memref<64x128xf32, #tpu.memory_space<vmem_shared>>
      %dma_wait3A_78 = arith.constant 0 : i32
      %dma_wait3A_79 = tpu.memref_slice %arg22[%add3A_42, %dma_wait3A_78] : memref<10112x128xf32, #tpu.memory_space<vmem_shared>> -> memref<64x128xf32, #tpu.memory_space<vmem_shared>>
      tpu.wait_dma2 semaphore(%run_scoped3A : memref<!tpu.dma_semaphore, #tpu.memory_space<semaphore_mem>>) src(%arg16 : memref<64x128xf32, #tpu.memory_space<vmem>>) dst(%dma_wait3A_79 : memref<64x128xf32, #tpu.memory_space<vmem_shared>>)
      tpu.yield
    }) : () -> ()
    %mul3A_43 = arith.constant 632 : i32
    %mul3A_44 = arith.muli %arg1, %mul3A_43 : i32
    %add3A_45 = arith.constant 384 : i32
    %add3A_46 = arith.addi %mul3A_44, %add3A_45 : i32
    "tpu.region"() ({
      %run_scoped3A = tpu.sem_alloc : memref<!tpu.dma_semaphore, #tpu.memory_space<semaphore_mem>>
      %dma_start3A = arith.constant 0 : i32
      %dma_start3A_74 = tpu.memref_slice %arg22[%add3A_46, %dma_start3A] : memref<10112x128xf32, #tpu.memory_space<vmem_shared>> -> memref<64x128xf32, #tpu.memory_space<vmem_shared>>
      %dma_start3A_75 = arith.constant 0 : i32
      %dma_start3A_76 = tpu.memref_slice %arg22[%add3A_46, %dma_start3A_75] : memref<10112x128xf32, #tpu.memory_space<vmem_shared>> -> memref<64x128xf32, #tpu.memory_space<vmem_shared>>
      tpu.enqueue_dma source(%arg16 : memref<64x128xf32, #tpu.memory_space<vmem>>) target(%dma_start3A_76 : memref<64x128xf32, #tpu.memory_space<vmem_shared>>) target_semaphore(%run_scoped3A : memref<!tpu.dma_semaphore, #tpu.memory_space<semaphore_mem>>)
      %dma_wait3A = arith.constant 0 : i32
      %dma_wait3A_77 = tpu.memref_slice %arg22[%add3A_46, %dma_wait3A] : memref<10112x128xf32, #tpu.memory_space<vmem_shared>> -> memref<64x128xf32, #tpu.memory_space<vmem_shared>>
      %dma_wait3A_78 = arith.constant 0 : i32
      %dma_wait3A_79 = tpu.memref_slice %arg22[%add3A_46, %dma_wait3A_78] : memref<10112x128xf32, #tpu.memory_space<vmem_shared>> -> memref<64x128xf32, #tpu.memory_space<vmem_shared>>
      tpu.wait_dma2 semaphore(%run_scoped3A : memref<!tpu.dma_semaphore, #tpu.memory_space<semaphore_mem>>) src(%arg16 : memref<64x128xf32, #tpu.memory_space<vmem>>) dst(%dma_wait3A_79 : memref<64x128xf32, #tpu.memory_space<vmem_shared>>)
      tpu.yield
    }) : () -> ()
    %mul3A_47 = arith.constant 632 : i32
    %mul3A_48 = arith.muli %arg1, %mul3A_47 : i32
    %add3A_49 = arith.constant 448 : i32
    %add3A_50 = arith.addi %mul3A_48, %add3A_49 : i32
    "tpu.region"() ({
      %run_scoped3A = tpu.sem_alloc : memref<!tpu.dma_semaphore, #tpu.memory_space<semaphore_mem>>
      %dma_start3A = arith.constant 0 : i32
      %dma_start3A_74 = tpu.memref_slice %arg22[%add3A_50, %dma_start3A] : memref<10112x128xf32, #tpu.memory_space<vmem_shared>> -> memref<64x128xf32, #tpu.memory_space<vmem_shared>>
      %dma_start3A_75 = arith.constant 0 : i32
      %dma_start3A_76 = tpu.memref_slice %arg22[%add3A_50, %dma_start3A_75] : memref<10112x128xf32, #tpu.memory_space<vmem_shared>> -> memref<64x128xf32, #tpu.memory_space<vmem_shared>>
      tpu.enqueue_dma source(%arg16 : memref<64x128xf32, #tpu.memory_space<vmem>>) target(%dma_start3A_76 : memref<64x128xf32, #tpu.memory_space<vmem_shared>>) target_semaphore(%run_scoped3A : memref<!tpu.dma_semaphore, #tpu.memory_space<semaphore_mem>>)
      %dma_wait3A = arith.constant 0 : i32
      %dma_wait3A_77 = tpu.memref_slice %arg22[%add3A_50, %dma_wait3A] : memref<10112x128xf32, #tpu.memory_space<vmem_shared>> -> memref<64x128xf32, #tpu.memory_space<vmem_shared>>
      %dma_wait3A_78 = arith.constant 0 : i32
      %dma_wait3A_79 = tpu.memref_slice %arg22[%add3A_50, %dma_wait3A_78] : memref<10112x128xf32, #tpu.memory_space<vmem_shared>> -> memref<64x128xf32, #tpu.memory_space<vmem_shared>>
      tpu.wait_dma2 semaphore(%run_scoped3A : memref<!tpu.dma_semaphore, #tpu.memory_space<semaphore_mem>>) src(%arg16 : memref<64x128xf32, #tpu.memory_space<vmem>>) dst(%dma_wait3A_79 : memref<64x128xf32, #tpu.memory_space<vmem_shared>>)
      tpu.yield
    }) : () -> ()
    %mul3A_51 = arith.constant 632 : i32
    %mul3A_52 = arith.muli %arg1, %mul3A_51 : i32
    %add3A_53 = arith.constant 512 : i32
    %add3A_54 = arith.addi %mul3A_52, %add3A_53 : i32
    "tpu.region"() ({
      %run_scoped3A = tpu.sem_alloc : memref<!tpu.dma_semaphore, #tpu.memory_space<semaphore_mem>>
      %dma_start3A = arith.constant 0 : i32
      %dma_start3A_74 = tpu.memref_slice %arg22[%add3A_54, %dma_start3A] : memref<10112x128xf32, #tpu.memory_space<vmem_shared>> -> memref<64x128xf32, #tpu.memory_space<vmem_shared>>
      %dma_start3A_75 = arith.constant 0 : i32
      %dma_start3A_76 = tpu.memref_slice %arg22[%add3A_54, %dma_start3A_75] : memref<10112x128xf32, #tpu.memory_space<vmem_shared>> -> memref<64x128xf32, #tpu.memory_space<vmem_shared>>
      tpu.enqueue_dma source(%arg16 : memref<64x128xf32, #tpu.memory_space<vmem>>) target(%dma_start3A_76 : memref<64x128xf32, #tpu.memory_space<vmem_shared>>) target_semaphore(%run_scoped3A : memref<!tpu.dma_semaphore, #tpu.memory_space<semaphore_mem>>)
      %dma_wait3A = arith.constant 0 : i32
      %dma_wait3A_77 = tpu.memref_slice %arg22[%add3A_54, %dma_wait3A] : memref<10112x128xf32, #tpu.memory_space<vmem_shared>> -> memref<64x128xf32, #tpu.memory_space<vmem_shared>>
      %dma_wait3A_78 = arith.constant 0 : i32
      %dma_wait3A_79 = tpu.memref_slice %arg22[%add3A_54, %dma_wait3A_78] : memref<10112x128xf32, #tpu.memory_space<vmem_shared>> -> memref<64x128xf32, #tpu.memory_space<vmem_shared>>
      tpu.wait_dma2 semaphore(%run_scoped3A : memref<!tpu.dma_semaphore, #tpu.memory_space<semaphore_mem>>) src(%arg16 : memref<64x128xf32, #tpu.memory_space<vmem>>) dst(%dma_wait3A_79 : memref<64x128xf32, #tpu.memory_space<vmem_shared>>)
      tpu.yield
    }) : () -> ()
    %mul3A_55 = arith.constant 632 : i32
    %mul3A_56 = arith.muli %arg1, %mul3A_55 : i32
    %add3A_57 = arith.constant 576 : i32
    %add3A_58 = arith.addi %mul3A_56, %add3A_57 : i32
    "tpu.region"() ({
      %run_scoped3A = tpu.sem_alloc : memref<!tpu.dma_semaphore, #tpu.memory_space<semaphore_mem>>
      %dma_start3A = arith.constant 0 : i32
      %dma_start3A_74 = arith.constant 0 : i32
      %dma_start3A_75 = tpu.memref_slice %arg16[%dma_start3A, %dma_start3A_74] : memref<64x128xf32, #tpu.memory_space<vmem>> -> memref<56x128xf32, #tpu.memory_space<vmem>>
      %dma_start3A_76 = arith.constant 0 : i32
      %dma_start3A_77 = tpu.memref_slice %arg22[%add3A_58, %dma_start3A_76] : memref<10112x128xf32, #tpu.memory_space<vmem_shared>> -> memref<56x128xf32, #tpu.memory_space<vmem_shared>>
      %dma_start3A_78 = arith.constant 0 : i32
      %dma_start3A_79 = tpu.memref_slice %arg22[%add3A_58, %dma_start3A_78] : memref<10112x128xf32, #tpu.memory_space<vmem_shared>> -> memref<56x128xf32, #tpu.memory_space<vmem_shared>>
      %dma_start3A_80 = arith.constant 0 : i32
      %dma_start3A_81 = arith.constant 0 : i32
      %dma_start3A_82 = tpu.memref_slice %arg16[%dma_start3A_80, %dma_start3A_81] : memref<64x128xf32, #tpu.memory_space<vmem>> -> memref<56x128xf32, #tpu.memory_space<vmem>>
      tpu.enqueue_dma source(%dma_start3A_82 : memref<56x128xf32, #tpu.memory_space<vmem>>) target(%dma_start3A_79 : memref<56x128xf32, #tpu.memory_space<vmem_shared>>) target_semaphore(%run_scoped3A : memref<!tpu.dma_semaphore, #tpu.memory_space<semaphore_mem>>)
      %dma_wait3A = arith.constant 0 : i32
      %dma_wait3A_83 = arith.constant 0 : i32
      %dma_wait3A_84 = tpu.memref_slice %arg16[%dma_wait3A, %dma_wait3A_83] : memref<64x128xf32, #tpu.memory_space<vmem>> -> memref<56x128xf32, #tpu.memory_space<vmem>>
      %dma_wait3A_85 = arith.constant 0 : i32
      %dma_wait3A_86 = tpu.memref_slice %arg22[%add3A_58, %dma_wait3A_85] : memref<10112x128xf32, #tpu.memory_space<vmem_shared>> -> memref<56x128xf32, #tpu.memory_space<vmem_shared>>
      %dma_wait3A_87 = arith.constant 0 : i32
      %dma_wait3A_88 = tpu.memref_slice %arg22[%add3A_58, %dma_wait3A_87] : memref<10112x128xf32, #tpu.memory_space<vmem_shared>> -> memref<56x128xf32, #tpu.memory_space<vmem_shared>>
      %dma_wait3A_89 = arith.constant 0 : i32
      %dma_wait3A_90 = arith.constant 0 : i32
      %dma_wait3A_91 = tpu.memref_slice %arg16[%dma_wait3A_89, %dma_wait3A_90] : memref<64x128xf32, #tpu.memory_space<vmem>> -> memref<56x128xf32, #tpu.memory_space<vmem>>
      tpu.wait_dma2 semaphore(%run_scoped3A : memref<!tpu.dma_semaphore, #tpu.memory_space<semaphore_mem>>) src(%dma_wait3A_91 : memref<56x128xf32, #tpu.memory_space<vmem>>) dst(%dma_wait3A_88 : memref<56x128xf32, #tpu.memory_space<vmem_shared>>)
      tpu.yield
    }) : () -> ()
    %barrier3A = arith.constant 0 : index
    tpu.barrier barrier_id(%barrier3A)
    %mul3A_59 = arith.constant 16 : i32
    %mul3A_60 = arith.muli %arg0, %mul3A_59 : i32
    %add3A_61 = arith.addi %mul3A_60, %arg1 : i32
    %mul3A_62 = arith.constant 10 : i32
    %mul3A_63 = arith.muli %add3A_61, %mul3A_62 : i32
    %scan3A_64 = arith.constant 0 : i32
    %scan3A_65 = arith.constant 10 : i32
    %scan3A_66 = arith.addi %scan3A_64, %scan3A_65 : i32
    %scan3A_67 = arith.constant 1 : i32
    scf.for %scan3A_74 = %scan3A_64 to %scan3A_66 step %scan3A_67  : i32 {
      %add3A_75 = arith.addi %mul3A_63, %scan3A_74 : i32
      "tpu.region"() ({
        %run_scoped3A = tpu.sem_alloc : memref<!tpu.dma_semaphore, #tpu.memory_space<semaphore_mem>>
        %dma_start3A = arith.constant 0 : i32
        %dma_start3A_95 = arith.constant 0 : i32
        %dma_start3A_96 = tpu.memref_slice %arg5[%add3A_75, %dma_start3A, %dma_start3A_95] : memref<320x16x64xi32, #tpu.memory_space<hbm>> -> memref<1x16x64xi32, #tpu.memory_space<hbm>>
        %dma_start3A_97 = tpu.memref_squeeze %dma_start3A_96 : memref<1x16x64xi32, #tpu.memory_space<hbm>> -> memref<16x64xi32, #tpu.memory_space<hbm>>
        %dma_start3A_98 = arith.constant 0 : i32
        %dma_start3A_99 = arith.constant 0 : i32
        %dma_start3A_100 = tpu.memref_slice %arg5[%add3A_75, %dma_start3A_98, %dma_start3A_99] : memref<320x16x64xi32, #tpu.memory_space<hbm>> -> memref<1x16x64xi32, #tpu.memory_space<hbm>>
        %dma_start3A_101 = tpu.memref_squeeze %dma_start3A_100 : memref<1x16x64xi32, #tpu.memory_space<hbm>> -> memref<16x64xi32, #tpu.memory_space<hbm>>
        tpu.enqueue_dma source(%dma_start3A_101 : memref<16x64xi32, #tpu.memory_space<hbm>>) target(%arg11 : memref<16x64xi32, #tpu.memory_space<vmem>>) target_semaphore(%run_scoped3A : memref<!tpu.dma_semaphore, #tpu.memory_space<semaphore_mem>>)
        %dma_wait3A_102 = arith.constant 0 : i32
        %dma_wait3A_103 = arith.constant 0 : i32
        %dma_wait3A_104 = tpu.memref_slice %arg5[%add3A_75, %dma_wait3A_102, %dma_wait3A_103] : memref<320x16x64xi32, #tpu.memory_space<hbm>> -> memref<1x16x64xi32, #tpu.memory_space<hbm>>
        %dma_wait3A_105 = tpu.memref_squeeze %dma_wait3A_104 : memref<1x16x64xi32, #tpu.memory_space<hbm>> -> memref<16x64xi32, #tpu.memory_space<hbm>>
        %dma_wait3A_106 = arith.constant 0 : i32
        %dma_wait3A_107 = arith.constant 0 : i32
        %dma_wait3A_108 = tpu.memref_slice %arg5[%add3A_75, %dma_wait3A_106, %dma_wait3A_107] : memref<320x16x64xi32, #tpu.memory_space<hbm>> -> memref<1x16x64xi32, #tpu.memory_space<hbm>>
        %dma_wait3A_109 = tpu.memref_squeeze %dma_wait3A_108 : memref<1x16x64xi32, #tpu.memory_space<hbm>> -> memref<16x64xi32, #tpu.memory_space<hbm>>
        tpu.wait_dma2 semaphore(%run_scoped3A : memref<!tpu.dma_semaphore, #tpu.memory_space<semaphore_mem>>) src(%dma_wait3A_109 : memref<16x64xi32, #tpu.memory_space<hbm>>) dst(%arg11 : memref<16x64xi32, #tpu.memory_space<vmem>>)
        tpu.yield
      }) : () -> ()
      %add3A_76 = arith.addi %mul3A_63, %scan3A_74 : i32
      "tpu.region"() ({
        %run_scoped3A = tpu.sem_alloc : memref<!tpu.dma_semaphore, #tpu.memory_space<semaphore_mem>>
        %dma_start3A = arith.constant 0 : i32
        %dma_start3A_95 = arith.constant 0 : i32
        %dma_start3A_96 = tpu.memref_slice %arg6[%add3A_76, %dma_start3A, %dma_start3A_95] : memref<320x16x64xi32, #tpu.memory_space<hbm>> -> memref<1x16x64xi32, #tpu.memory_space<hbm>>
        %dma_start3A_97 = tpu.memref_squeeze %dma_start3A_96 : memref<1x16x64xi32, #tpu.memory_space<hbm>> -> memref<16x64xi32, #tpu.memory_space<hbm>>
        %dma_start3A_98 = arith.constant 0 : i32
        %dma_start3A_99 = arith.constant 0 : i32
        %dma_start3A_100 = tpu.memref_slice %arg6[%add3A_76, %dma_start3A_98, %dma_start3A_99] : memref<320x16x64xi32, #tpu.memory_space<hbm>> -> memref<1x16x64xi32, #tpu.memory_space<hbm>>
        %dma_start3A_101 = tpu.memref_squeeze %dma_start3A_100 : memref<1x16x64xi32, #tpu.memory_space<hbm>> -> memref<16x64xi32, #tpu.memory_space<hbm>>
        tpu.enqueue_dma source(%dma_start3A_101 : memref<16x64xi32, #tpu.memory_space<hbm>>) target(%arg12 : memref<16x64xi32, #tpu.memory_space<vmem>>) target_semaphore(%run_scoped3A : memref<!tpu.dma_semaphore, #tpu.memory_space<semaphore_mem>>)
        %dma_wait3A_102 = arith.constant 0 : i32
        %dma_wait3A_103 = arith.constant 0 : i32
        %dma_wait3A_104 = tpu.memref_slice %arg6[%add3A_76, %dma_wait3A_102, %dma_wait3A_103] : memref<320x16x64xi32, #tpu.memory_space<hbm>> -> memref<1x16x64xi32, #tpu.memory_space<hbm>>
        %dma_wait3A_105 = tpu.memref_squeeze %dma_wait3A_104 : memref<1x16x64xi32, #tpu.memory_space<hbm>> -> memref<16x64xi32, #tpu.memory_space<hbm>>
        %dma_wait3A_106 = arith.constant 0 : i32
        %dma_wait3A_107 = arith.constant 0 : i32
        %dma_wait3A_108 = tpu.memref_slice %arg6[%add3A_76, %dma_wait3A_106, %dma_wait3A_107] : memref<320x16x64xi32, #tpu.memory_space<hbm>> -> memref<1x16x64xi32, #tpu.memory_space<hbm>>
        %dma_wait3A_109 = tpu.memref_squeeze %dma_wait3A_108 : memref<1x16x64xi32, #tpu.memory_space<hbm>> -> memref<16x64xi32, #tpu.memory_space<hbm>>
        tpu.wait_dma2 semaphore(%run_scoped3A : memref<!tpu.dma_semaphore, #tpu.memory_space<semaphore_mem>>) src(%dma_wait3A_109 : memref<16x64xi32, #tpu.memory_space<hbm>>) dst(%arg12 : memref<16x64xi32, #tpu.memory_space<vmem>>)
        tpu.yield
      }) : () -> ()
      %eq3A = arith.constant 0 : i32
      %eq3A_77 = arith.cmpi eq, %arg0, %eq3A : i32
      %convert_element_type3A = arith.extui %eq3A_77 : i1 to i32
      %cond3A = arith.constant 0 : i32
      %cond3A_78 = arith.cmpi ne, %convert_element_type3A, %cond3A : i32
      scf.if %cond3A_78 {
        %dma_start3A = arith.constant 0 : i32
        %dma_start3A_95 = arith.constant 0 : i32
        %dma_start3A_96 = tpu.memref_slice %arg11[%dma_start3A, %dma_start3A_95] : memref<16x64xi32, #tpu.memory_space<vmem>> -> memref<1x64xi32, #tpu.memory_space<vmem>>
        %dma_start3A_97 = tpu.memref_squeeze %dma_start3A_96 : memref<1x64xi32, #tpu.memory_space<vmem>> -> memref<64xi32, #tpu.memory_space<vmem>>
        %dma_start3A_98 = arith.constant 0 : i32
        %dma_start3A_99 = arith.constant 0 : i32
        %dma_start3A_100 = tpu.memref_slice %arg2[%dma_start3A_98, %dma_start3A_99] : memref<10240x128xf32, #tpu.memory_space<hbm>> -> memref<10240x128xf32, #tpu.memory_space<hbm>>
        tpu.enqueue_indirect_dma source(%dma_start3A_100 : memref<10240x128xf32, #tpu.memory_space<hbm>>) target(%arg16 : memref<64x128xf32, #tpu.memory_space<vmem>>) offsets(%dma_start3A_97 : memref<64xi32, #tpu.memory_space<vmem>>) semaphore(%arg18 : memref<!tpu.dma_semaphore, #tpu.memory_space<semaphore_mem>>)
      } else {
      }
      %eq3A_79 = arith.constant 1 : i32
      %eq3A_80 = arith.cmpi eq, %arg0, %eq3A_79 : i32
      %convert_element_type3A_81 = arith.extui %eq3A_80 : i1 to i32
      %cond3A_82 = arith.constant 0 : i32
      %cond3A_83 = arith.cmpi ne, %convert_element_type3A_81, %cond3A_82 : i32
      scf.if %cond3A_83 {
        %dma_start3A = arith.constant 0 : i32
        %dma_start3A_95 = arith.constant 0 : i32
        %dma_start3A_96 = tpu.memref_slice %arg11[%dma_start3A, %dma_start3A_95] : memref<16x64xi32, #tpu.memory_space<vmem>> -> memref<1x64xi32, #tpu.memory_space<vmem>>
        %dma_start3A_97 = tpu.memref_squeeze %dma_start3A_96 : memref<1x64xi32, #tpu.memory_space<vmem>> -> memref<64xi32, #tpu.memory_space<vmem>>
        %dma_start3A_98 = arith.constant 0 : i32
        %dma_start3A_99 = arith.constant 0 : i32
        %dma_start3A_100 = tpu.memref_slice %arg3[%dma_start3A_98, %dma_start3A_99] : memref<10240x128xf32, #tpu.memory_space<hbm>> -> memref<10240x128xf32, #tpu.memory_space<hbm>>
        tpu.enqueue_indirect_dma source(%dma_start3A_100 : memref<10240x128xf32, #tpu.memory_space<hbm>>) target(%arg16 : memref<64x128xf32, #tpu.memory_space<vmem>>) offsets(%dma_start3A_97 : memref<64xi32, #tpu.memory_space<vmem>>) semaphore(%arg18 : memref<!tpu.dma_semaphore, #tpu.memory_space<semaphore_mem>>)
      } else {
      }
      %scan3A_84 = arith.constant 0 : i32
      %scan3A_85 = arith.constant 8 : i32
      %scan3A_86 = arith.addi %scan3A_84, %scan3A_85 : i32
      %scan3A_87 = arith.constant 1 : i32
      scf.for %scan3A_95 = %scan3A_84 to %scan3A_86 step %scan3A_87  : i32 {
        %mul3A_96 = arith.constant 2 : i32
        %mul3A_97 = arith.muli %mul3A_96, %scan3A_95 : i32
        %gt3A = arith.constant 0 : i32
        %gt3A_98 = arith.cmpi sgt, %scan3A_95, %gt3A : i32
        %convert_element_type3A_99 = arith.extui %gt3A_98 : i1 to i32
        %cond3A_100 = arith.constant 0 : i32
        %cond3A_101 = arith.cmpi ne, %convert_element_type3A_99, %cond3A_100 : i32
        scf.if %cond3A_101 {
          %dma_wait3A_739 = arith.constant 0 : i32
          %dma_wait3A_740 = tpu.memref_slice %arg12[%mul3A_97, %dma_wait3A_739] : memref<16x64xi32, #tpu.memory_space<vmem>> -> memref<1x64xi32, #tpu.memory_space<vmem>>
          %dma_wait3A_741 = tpu.memref_squeeze %dma_wait3A_740 : memref<1x64xi32, #tpu.memory_space<vmem>> -> memref<64xi32, #tpu.memory_space<vmem>>
          %dma_wait3A_742 = arith.constant 0 : i32
          %dma_wait3A_743 = arith.constant 0 : i32
          %dma_wait3A_744 = tpu.memref_slice %arg22[%dma_wait3A_742, %dma_wait3A_743] : memref<10112x128xf32, #tpu.memory_space<vmem_shared>> -> memref<10112x128xf32, #tpu.memory_space<vmem_shared>>
          tpu.wait_indirect_dma semaphore(%arg21 : memref<!tpu.dma_semaphore, #tpu.memory_space<semaphore_mem>>) src(%arg17 : memref<64x128xf32, #tpu.memory_space<vmem>>) dst(%dma_wait3A_744 : memref<10112x128xf32, #tpu.memory_space<vmem_shared>>)
        } else {
        }
        %add3A_102 = arith.constant 1 : i32
        %add3A_103 = arith.addi %mul3A_97, %add3A_102 : i32
        %eq3A_104 = arith.constant 0 : i32
        %eq3A_105 = arith.cmpi eq, %arg0, %eq3A_104 : i32
        %convert_element_type3A_106 = arith.extui %eq3A_105 : i1 to i32
        %cond3A_107 = arith.constant 0 : i32
        %cond3A_108 = arith.cmpi ne, %convert_element_type3A_106, %cond3A_107 : i32
        scf.if %cond3A_108 {
          %dma_start3A_739 = arith.constant 0 : i32
          %dma_start3A_740 = tpu.memref_slice %arg11[%add3A_103, %dma_start3A_739] : memref<16x64xi32, #tpu.memory_space<vmem>> -> memref<1x64xi32, #tpu.memory_space<vmem>>
          %dma_start3A_741 = tpu.memref_squeeze %dma_start3A_740 : memref<1x64xi32, #tpu.memory_space<vmem>> -> memref<64xi32, #tpu.memory_space<vmem>>
          %dma_start3A_742 = arith.constant 0 : i32
          %dma_start3A_743 = arith.constant 0 : i32
          %dma_start3A_744 = tpu.memref_slice %arg2[%dma_start3A_742, %dma_start3A_743] : memref<10240x128xf32, #tpu.memory_space<hbm>> -> memref<10240x128xf32, #tpu.memory_space<hbm>>
          tpu.enqueue_indirect_dma source(%dma_start3A_744 : memref<10240x128xf32, #tpu.memory_space<hbm>>) target(%arg17 : memref<64x128xf32, #tpu.memory_space<vmem>>) offsets(%dma_start3A_741 : memref<64xi32, #tpu.memory_space<vmem>>) semaphore(%arg19 : memref<!tpu.dma_semaphore, #tpu.memory_space<semaphore_mem>>)
        } else {
        }
        %eq3A_109 = arith.constant 1 : i32
        %eq3A_110 = arith.cmpi eq, %arg0, %eq3A_109 : i32
        %convert_element_type3A_111 = arith.extui %eq3A_110 : i1 to i32
        %cond3A_112 = arith.constant 0 : i32
        %cond3A_113 = arith.cmpi ne, %convert_element_type3A_111, %cond3A_112 : i32
        scf.if %cond3A_113 {
          %dma_start3A_739 = arith.constant 0 : i32
          %dma_start3A_740 = tpu.memref_slice %arg11[%add3A_103, %dma_start3A_739] : memref<16x64xi32, #tpu.memory_space<vmem>> -> memref<1x64xi32, #tpu.memory_space<vmem>>
          %dma_start3A_741 = tpu.memref_squeeze %dma_start3A_740 : memref<1x64xi32, #tpu.memory_space<vmem>> -> memref<64xi32, #tpu.memory_space<vmem>>
          %dma_start3A_742 = arith.constant 0 : i32
          %dma_start3A_743 = arith.constant 0 : i32
          %dma_start3A_744 = tpu.memref_slice %arg3[%dma_start3A_742, %dma_start3A_743] : memref<10240x128xf32, #tpu.memory_space<hbm>> -> memref<10240x128xf32, #tpu.memory_space<hbm>>
          tpu.enqueue_indirect_dma source(%dma_start3A_744 : memref<10240x128xf32, #tpu.memory_space<hbm>>) target(%arg17 : memref<64x128xf32, #tpu.memory_space<vmem>>) offsets(%dma_start3A_741 : memref<64xi32, #tpu.memory_space<vmem>>) semaphore(%arg19 : memref<!tpu.dma_semaphore, #tpu.memory_space<semaphore_mem>>)
        } else {
        }
        %dma_wait3A_114 = arith.constant 0 : i32
        %dma_wait3A_115 = tpu.memref_slice %arg11[%mul3A_97, %dma_wait3A_114] : memref<16x64xi32, #tpu.memory_space<vmem>> -> memref<1x64xi32, #tpu.memory_space<vmem>>
        %dma_wait3A_116 = tpu.memref_squeeze %dma_wait3A_115 : memref<1x64xi32, #tpu.memory_space<vmem>> -> memref<64xi32, #tpu.memory_space<vmem>>
        %dma_wait3A_117 = arith.constant 0 : i32
        %dma_wait3A_118 = arith.constant 0 : i32
        %dma_wait3A_119 = tpu.memref_slice %arg2[%dma_wait3A_117, %dma_wait3A_118] : memref<10240x128xf32, #tpu.memory_space<hbm>> -> memref<10240x128xf32, #tpu.memory_space<hbm>>
        tpu.wait_indirect_dma semaphore(%arg18 : memref<!tpu.dma_semaphore, #tpu.memory_space<semaphore_mem>>) src(%dma_wait3A_119 : memref<10240x128xf32, #tpu.memory_space<hbm>>) dst(%arg16 : memref<64x128xf32, #tpu.memory_space<vmem>>)
        %get3A = arith.index_cast %mul3A_97 : i32 to index
        %get3A_120 = arith.constant 0 : index
        %get3A_121 = tpu.vector_load %arg11[%get3A, %get3A_120] {strides = array<i32>} : memref<16x64xi32, #tpu.memory_space<vmem>>, vector<16xi32>,
        %get3A_122 = arith.index_cast %mul3A_97 : i32 to index
        %get3A_123 = arith.constant 0 : index
        %get3A_124 = tpu.vector_load %arg12[%get3A_122, %get3A_123] {strides = array<i32>} : memref<16x64xi32, #tpu.memory_space<vmem>>, vector<16xi32>,
        %gather3A = tpu.vector_load_idx %arg9[%get3A_121] : memref<10000xf32, #tpu.memory_space<vmem>>[vector<16xi32>], vector<16xf32>,
        %gather3A_125 = tpu.vector_load_idx %arg10[%get3A_124] : memref<10016xf32, #tpu.memory_space<vmem>>[vector<16xi32>], vector<16xf32>,
        %add3A_126 = arith.addf %gather3A, %gather3A_125 : vector<16xf32>
        %ge3A = arith.constant 0.000000e+00 : f32
        %ge3A_127 = vector.broadcast %ge3A : f32 to vector<16xf32>
        %ge3A_128 = arith.cmpf oge, %add3A_126, %ge3A_127 : vector<16xf32>
        %mul3A_129 = arith.constant 2.000000e-01 : f32
        %mul3A_130 = vector.broadcast %mul3A_129 : f32 to vector<16xf32>
        %mul3A_131 = arith.mulf %mul3A_130, %add3A_126 : vector<16xf32>
        %select_n3A = arith.select %ge3A_128, %add3A_126, %mul3A_131 : vector<16xi1>, vector<16xf32>
        %exp3A = math.exp %select_n3A : vector<16xf32>
        %mul3A_132 = arith.constant 64 : i32
        %mul3A_133 = arith.muli %mul3A_97, %mul3A_132 : i32
        %add3A_134 = arith.constant 0 : i32
        %add3A_135 = arith.addi %mul3A_133, %add3A_134 : i32
        %swap3A_136 = arith.index_cast %add3A_135 : i32 to index
        %swap3A_137 = tpu.vector_load %arg13[%swap3A_136] {strides = array<i32>} : memref<1024xf32, #tpu.memory_space<vmem>>, vector<16xf32>,
        tpu.vector_store %arg13[%swap3A_136], %exp3A {strides = array<i32>} : memref<1024xf32, #tpu.memory_space<vmem>>, vector<16xf32>,
        %masked_sort3A = arith.constant dense<true> : vector<16xi1>
        %masked_sort3A_138 = arith.constant -2147483648 : i32
        %masked_sort3A_139 = vector.broadcast %masked_sort3A_138 : i32 to vector<16xi32>
        %masked_sort3A_140 = arith.xori %get3A_124, %masked_sort3A_139 : vector<16xi32>
        %masked_sort3A_141, %masked_sort3A_142, %masked_sort3A_143 = tpu.sort %masked_sort3A_140, %exp3A masked %masked_sort3A : (vector<16xi32>, vector<16xf32>, vector<16xi1>) -> (vector<16xi1>, vector<16xi32>, vector<16xf32>)
        %masked_sort3A_144 = arith.xori %masked_sort3A_142, %masked_sort3A_139 : vector<16xi32>
        %swap3A_145 = arith.constant 0 : index
        %swap3A_146 = tpu.vector_load %arg14[%swap3A_145] {strides = array<i32>} : memref<16xi32, #tpu.memory_space<vmem>>, vector<16xi32>,
        tpu.vector_store %arg14[%swap3A_145], %masked_sort3A_144 {strides = array<i32>} : memref<16xi32, #tpu.memory_space<vmem>>, vector<16xi32>,
        %sub3A = arith.constant 1 : i32
        %sub3A_147 = vector.broadcast %sub3A : i32 to vector<16xi32>
        %sub3A_148 = arith.subi %iota3A, %sub3A_147 : vector<16xi32>
        %max3A = arith.constant 0 : i32
        %max3A_149 = vector.broadcast %max3A : i32 to vector<16xi32>
        %max3A_150 = arith.maxsi %sub3A_148, %max3A_149 : vector<16xi32>
        %gather3A_151 = tpu.vector_load_idx %arg14[%max3A_150] : memref<16xi32, #tpu.memory_space<vmem>>[vector<16xi32>], vector<16xi32>,
        %add3A_152 = arith.constant 1 : i32
        %add3A_153 = vector.broadcast %add3A_152 : i32 to vector<16xi32>
        %add3A_154 = arith.addi %iota3A, %add3A_153 : vector<16xi32>
        %min3A = arith.constant 15 : i32
        %min3A_155 = vector.broadcast %min3A : i32 to vector<16xi32>
        %min3A_156 = arith.minsi %add3A_154, %min3A_155 : vector<16xi32>
        %gather3A_157 = tpu.vector_load_idx %arg14[%min3A_156] : memref<16xi32, #tpu.memory_space<vmem>>[vector<16xi32>], vector<16xi32>,
        %eq3A_158 = arith.constant 0 : i32
        %eq3A_159 = vector.broadcast %eq3A_158 : i32 to vector<16xi32>
        %eq3A_160 = arith.cmpi eq, %iota3A, %eq3A_159 : vector<16xi32>
        %ne3A = arith.cmpi ne, %masked_sort3A_144, %gather3A_151 : vector<16xi32>
        %or3A = arith.ori %eq3A_160, %ne3A : vector<16xi1>
        %eq3A_161 = arith.constant 15 : i32
        %eq3A_162 = vector.broadcast %eq3A_161 : i32 to vector<16xi32>
        %eq3A_163 = arith.cmpi eq, %iota3A, %eq3A_162 : vector<16xi32>
        %ne3A_164 = arith.cmpi ne, %masked_sort3A_144, %gather3A_157 : vector<16xi32>
        %or3A_165 = arith.ori %eq3A_163, %ne3A_164 : vector<16xi1>
        %broadcast_in_dim3A_166 = arith.constant true
        %broadcast_in_dim3A_167 = vector.broadcast %broadcast_in_dim3A_166 : i1 to vector<16xi1>
        %masked_cumsum3A = tpu.scan <sum>, %masked_sort3A_143 masked %broadcast_in_dim3A_167 : vector<16xf32>, vector<16xi1> -> vector<16xf32>
        %sub3A_168 = arith.subf %masked_cumsum3A, %masked_sort3A_143 : vector<16xf32>
        %jit3A = arith.constant -3.000000e+38 : f32
        %broadcast_in_dim3A_169 = vector.broadcast %jit3A : f32 to vector<16xf32>
        %select_n3A_170 = arith.select %or3A, %sub3A_168, %broadcast_in_dim3A_169 : vector<16xi1>, vector<16xf32>
        %broadcast_in_dim3A_171 = arith.constant true
        %broadcast_in_dim3A_172 = vector.broadcast %broadcast_in_dim3A_171 : i1 to vector<16xi1>
        %masked_cummax3A = tpu.scan <max>, %select_n3A_170 masked %broadcast_in_dim3A_172 : vector<16xf32>, vector<16xi1> -> vector<16xf32>
        %shift_right_arithmetic3A = arith.constant 4 : i32
        %shift_right_arithmetic3A_173 = vector.broadcast %shift_right_arithmetic3A : i32 to vector<16xi32>
        %shift_right_arithmetic3A_174 = arith.shrsi %masked_sort3A_144, %shift_right_arithmetic3A_173 : vector<16xi32>
        %and3A = arith.constant 15 : i32
        %and3A_175 = vector.broadcast %and3A : i32 to vector<16xi32>
        %and3A_176 = arith.andi %masked_sort3A_144, %and3A_175 : vector<16xi32>
        %sub3A_177 = arith.subf %masked_cumsum3A, %masked_cummax3A : vector<16xf32>
        tpu.vector_store_idx %arg15[%shift_right_arithmetic3A_174, %and3A_176], %sub3A_177 masked %or3A_165 {add = true} : memref<632x16xf32, #tpu.memory_space<vmem>>[vector<16xi32>, vector<16xi32>], vector<16xf32>, vector<16xi1>
        %get3A_178 = arith.index_cast %mul3A_97 : i32 to index
        %get3A_179 = arith.constant 16 : index
        %get3A_180 = tpu.vector_load %arg11[%get3A_178, %get3A_179] {strides = array<i32>} : memref<16x64xi32, #tpu.memory_space<vmem>>, vector<16xi32>,
        %get3A_181 = arith.index_cast %mul3A_97 : i32 to index
        %get3A_182 = arith.constant 16 : index
        %get3A_183 = tpu.vector_load %arg12[%get3A_181, %get3A_182] {strides = array<i32>} : memref<16x64xi32, #tpu.memory_space<vmem>>, vector<16xi32>,
        %gather3A_184 = tpu.vector_load_idx %arg9[%get3A_180] : memref<10000xf32, #tpu.memory_space<vmem>>[vector<16xi32>], vector<16xf32>,
        %gather3A_185 = tpu.vector_load_idx %arg10[%get3A_183] : memref<10016xf32, #tpu.memory_space<vmem>>[vector<16xi32>], vector<16xf32>,
        %add3A_186 = arith.addf %gather3A_184, %gather3A_185 : vector<16xf32>
        %ge3A_187 = arith.constant 0.000000e+00 : f32
        %ge3A_188 = vector.broadcast %ge3A_187 : f32 to vector<16xf32>
        %ge3A_189 = arith.cmpf oge, %add3A_186, %ge3A_188 : vector<16xf32>
        %mul3A_190 = arith.constant 2.000000e-01 : f32
        %mul3A_191 = vector.broadcast %mul3A_190 : f32 to vector<16xf32>
        %mul3A_192 = arith.mulf %mul3A_191, %add3A_186 : vector<16xf32>
        %select_n3A_193 = arith.select %ge3A_189, %add3A_186, %mul3A_192 : vector<16xi1>, vector<16xf32>
        %exp3A_194 = math.exp %select_n3A_193 : vector<16xf32>
        %mul3A_195 = arith.constant 64 : i32
        %mul3A_196 = arith.muli %mul3A_97, %mul3A_195 : i32
        %add3A_197 = arith.constant 16 : i32
        %add3A_198 = arith.addi %mul3A_196, %add3A_197 : i32
        %swap3A_199 = arith.index_cast %add3A_198 : i32 to index
        %swap3A_200 = tpu.vector_load %arg13[%swap3A_199] {strides = array<i32>} : memref<1024xf32, #tpu.memory_space<vmem>>, vector<16xf32>,
        tpu.vector_store %arg13[%swap3A_199], %exp3A_194 {strides = array<i32>} : memref<1024xf32, #tpu.memory_space<vmem>>, vector<16xf32>,
        %masked_sort3A_201 = arith.constant dense<true> : vector<16xi1>
        %masked_sort3A_202 = arith.constant -2147483648 : i32
        %masked_sort3A_203 = vector.broadcast %masked_sort3A_202 : i32 to vector<16xi32>
        %masked_sort3A_204 = arith.xori %get3A_183, %masked_sort3A_203 : vector<16xi32>
        %masked_sort3A_205, %masked_sort3A_206, %masked_sort3A_207 = tpu.sort %masked_sort3A_204, %exp3A_194 masked %masked_sort3A_201 : (vector<16xi32>, vector<16xf32>, vector<16xi1>) -> (vector<16xi1>, vector<16xi32>, vector<16xf32>)
        %masked_sort3A_208 = arith.xori %masked_sort3A_206, %masked_sort3A_203 : vector<16xi32>
        %swap3A_209 = arith.constant 0 : index
        %swap3A_210 = tpu.vector_load %arg14[%swap3A_209] {strides = array<i32>} : memref<16xi32, #tpu.memory_space<vmem>>, vector<16xi32>,
        tpu.vector_store %arg14[%swap3A_209], %masked_sort3A_208 {strides = array<i32>} : memref<16xi32, #tpu.memory_space<vmem>>, vector<16xi32>,
        %sub3A_211 = arith.constant 1 : i32
        %sub3A_212 = vector.broadcast %sub3A_211 : i32 to vector<16xi32>
        %sub3A_213 = arith.subi %iota3A, %sub3A_212 : vector<16xi32>
        %max3A_214 = arith.constant 0 : i32
        %max3A_215 = vector.broadcast %max3A_214 : i32 to vector<16xi32>
        %max3A_216 = arith.maxsi %sub3A_213, %max3A_215 : vector<16xi32>
        %gather3A_217 = tpu.vector_load_idx %arg14[%max3A_216] : memref<16xi32, #tpu.memory_space<vmem>>[vector<16xi32>], vector<16xi32>,
        %add3A_218 = arith.constant 1 : i32
        %add3A_219 = vector.broadcast %add3A_218 : i32 to vector<16xi32>
        %add3A_220 = arith.addi %iota3A, %add3A_219 : vector<16xi32>
        %min3A_221 = arith.constant 15 : i32
        %min3A_222 = vector.broadcast %min3A_221 : i32 to vector<16xi32>
        %min3A_223 = arith.minsi %add3A_220, %min3A_222 : vector<16xi32>
        %gather3A_224 = tpu.vector_load_idx %arg14[%min3A_223] : memref<16xi32, #tpu.memory_space<vmem>>[vector<16xi32>], vector<16xi32>,
        %eq3A_225 = arith.constant 0 : i32
        %eq3A_226 = vector.broadcast %eq3A_225 : i32 to vector<16xi32>
        %eq3A_227 = arith.cmpi eq, %iota3A, %eq3A_226 : vector<16xi32>
        %ne3A_228 = arith.cmpi ne, %masked_sort3A_208, %gather3A_217 : vector<16xi32>
        %or3A_229 = arith.ori %eq3A_227, %ne3A_228 : vector<16xi1>
        %eq3A_230 = arith.constant 15 : i32
        %eq3A_231 = vector.broadcast %eq3A_230 : i32 to vector<16xi32>
        %eq3A_232 = arith.cmpi eq, %iota3A, %eq3A_231 : vector<16xi32>
        %ne3A_233 = arith.cmpi ne, %masked_sort3A_208, %gather3A_224 : vector<16xi32>
        %or3A_234 = arith.ori %eq3A_232, %ne3A_233 : vector<16xi1>
        %broadcast_in_dim3A_235 = arith.constant true
        %broadcast_in_dim3A_236 = vector.broadcast %broadcast_in_dim3A_235 : i1 to vector<16xi1>
        %masked_cumsum3A_237 = tpu.scan <sum>, %masked_sort3A_207 masked %broadcast_in_dim3A_236 : vector<16xf32>, vector<16xi1> -> vector<16xf32>
        %sub3A_238 = arith.subf %masked_cumsum3A_237, %masked_sort3A_207 : vector<16xf32>
        %jit3A_239 = arith.constant -3.000000e+38 : f32
        %broadcast_in_dim3A_240 = vector.broadcast %jit3A_239 : f32 to vector<16xf32>
        %select_n3A_241 = arith.select %or3A_229, %sub3A_238, %broadcast_in_dim3A_240 : vector<16xi1>, vector<16xf32>
        %broadcast_in_dim3A_242 = arith.constant true
        %broadcast_in_dim3A_243 = vector.broadcast %broadcast_in_dim3A_242 : i1 to vector<16xi1>
        %masked_cummax3A_244 = tpu.scan <max>, %select_n3A_241 masked %broadcast_in_dim3A_243 : vector<16xf32>, vector<16xi1> -> vector<16xf32>
        %shift_right_arithmetic3A_245 = arith.constant 4 : i32
        %shift_right_arithmetic3A_246 = vector.broadcast %shift_right_arithmetic3A_245 : i32 to vector<16xi32>
        %shift_right_arithmetic3A_247 = arith.shrsi %masked_sort3A_208, %shift_right_arithmetic3A_246 : vector<16xi32>
        %and3A_248 = arith.constant 15 : i32
        %and3A_249 = vector.broadcast %and3A_248 : i32 to vector<16xi32>
        %and3A_250 = arith.andi %masked_sort3A_208, %and3A_249 : vector<16xi32>
        %sub3A_251 = arith.subf %masked_cumsum3A_237, %masked_cummax3A_244 : vector<16xf32>
        tpu.vector_store_idx %arg15[%shift_right_arithmetic3A_247, %and3A_250], %sub3A_251 masked %or3A_234 {add = true} : memref<632x16xf32, #tpu.memory_space<vmem>>[vector<16xi32>, vector<16xi32>], vector<16xf32>, vector<16xi1>
        %get3A_252 = arith.index_cast %mul3A_97 : i32 to index
        %get3A_253 = arith.constant 32 : index
        %get3A_254 = tpu.vector_load %arg11[%get3A_252, %get3A_253] {strides = array<i32>} : memref<16x64xi32, #tpu.memory_space<vmem>>, vector<16xi32>,
        %get3A_255 = arith.index_cast %mul3A_97 : i32 to index
        %get3A_256 = arith.constant 32 : index
        %get3A_257 = tpu.vector_load %arg12[%get3A_255, %get3A_256] {strides = array<i32>} : memref<16x64xi32, #tpu.memory_space<vmem>>, vector<16xi32>,
        %gather3A_258 = tpu.vector_load_idx %arg9[%get3A_254] : memref<10000xf32, #tpu.memory_space<vmem>>[vector<16xi32>], vector<16xf32>,
        %gather3A_259 = tpu.vector_load_idx %arg10[%get3A_257] : memref<10016xf32, #tpu.memory_space<vmem>>[vector<16xi32>], vector<16xf32>,
        %add3A_260 = arith.addf %gather3A_258, %gather3A_259 : vector<16xf32>
        %ge3A_261 = arith.constant 0.000000e+00 : f32
        %ge3A_262 = vector.broadcast %ge3A_261 : f32 to vector<16xf32>
        %ge3A_263 = arith.cmpf oge, %add3A_260, %ge3A_262 : vector<16xf32>
        %mul3A_264 = arith.constant 2.000000e-01 : f32
        %mul3A_265 = vector.broadcast %mul3A_264 : f32 to vector<16xf32>
        %mul3A_266 = arith.mulf %mul3A_265, %add3A_260 : vector<16xf32>
        %select_n3A_267 = arith.select %ge3A_263, %add3A_260, %mul3A_266 : vector<16xi1>, vector<16xf32>
        %exp3A_268 = math.exp %select_n3A_267 : vector<16xf32>
        %mul3A_269 = arith.constant 64 : i32
        %mul3A_270 = arith.muli %mul3A_97, %mul3A_269 : i32
        %add3A_271 = arith.constant 32 : i32
        %add3A_272 = arith.addi %mul3A_270, %add3A_271 : i32
        %swap3A_273 = arith.index_cast %add3A_272 : i32 to index
        %swap3A_274 = tpu.vector_load %arg13[%swap3A_273] {strides = array<i32>} : memref<1024xf32, #tpu.memory_space<vmem>>, vector<16xf32>,
        tpu.vector_store %arg13[%swap3A_273], %exp3A_268 {strides = array<i32>} : memref<1024xf32, #tpu.memory_space<vmem>>, vector<16xf32>,
        %masked_sort3A_275 = arith.constant dense<true> : vector<16xi1>
        %masked_sort3A_276 = arith.constant -2147483648 : i32
        %masked_sort3A_277 = vector.broadcast %masked_sort3A_276 : i32 to vector<16xi32>
        %masked_sort3A_278 = arith.xori %get3A_257, %masked_sort3A_277 : vector<16xi32>
        %masked_sort3A_279, %masked_sort3A_280, %masked_sort3A_281 = tpu.sort %masked_sort3A_278, %exp3A_268 masked %masked_sort3A_275 : (vector<16xi32>, vector<16xf32>, vector<16xi1>) -> (vector<16xi1>, vector<16xi32>, vector<16xf32>)
        %masked_sort3A_282 = arith.xori %masked_sort3A_280, %masked_sort3A_277 : vector<16xi32>
        %swap3A_283 = arith.constant 0 : index
        %swap3A_284 = tpu.vector_load %arg14[%swap3A_283] {strides = array<i32>} : memref<16xi32, #tpu.memory_space<vmem>>, vector<16xi32>,
        tpu.vector_store %arg14[%swap3A_283], %masked_sort3A_282 {strides = array<i32>} : memref<16xi32, #tpu.memory_space<vmem>>, vector<16xi32>,
        %sub3A_285 = arith.constant 1 : i32
        %sub3A_286 = vector.broadcast %sub3A_285 : i32 to vector<16xi32>
        %sub3A_287 = arith.subi %iota3A, %sub3A_286 : vector<16xi32>
        %max3A_288 = arith.constant 0 : i32
        %max3A_289 = vector.broadcast %max3A_288 : i32 to vector<16xi32>
        %max3A_290 = arith.maxsi %sub3A_287, %max3A_289 : vector<16xi32>
        %gather3A_291 = tpu.vector_load_idx %arg14[%max3A_290] : memref<16xi32, #tpu.memory_space<vmem>>[vector<16xi32>], vector<16xi32>,
        %add3A_292 = arith.constant 1 : i32
        %add3A_293 = vector.broadcast %add3A_292 : i32 to vector<16xi32>
        %add3A_294 = arith.addi %iota3A, %add3A_293 : vector<16xi32>
        %min3A_295 = arith.constant 15 : i32
        %min3A_296 = vector.broadcast %min3A_295 : i32 to vector<16xi32>
        %min3A_297 = arith.minsi %add3A_294, %min3A_296 : vector<16xi32>
        %gather3A_298 = tpu.vector_load_idx %arg14[%min3A_297] : memref<16xi32, #tpu.memory_space<vmem>>[vector<16xi32>], vector<16xi32>,
        %eq3A_299 = arith.constant 0 : i32
        %eq3A_300 = vector.broadcast %eq3A_299 : i32 to vector<16xi32>
        %eq3A_301 = arith.cmpi eq, %iota3A, %eq3A_300 : vector<16xi32>
        %ne3A_302 = arith.cmpi ne, %masked_sort3A_282, %gather3A_291 : vector<16xi32>
        %or3A_303 = arith.ori %eq3A_301, %ne3A_302 : vector<16xi1>
        %eq3A_304 = arith.constant 15 : i32
        %eq3A_305 = vector.broadcast %eq3A_304 : i32 to vector<16xi32>
        %eq3A_306 = arith.cmpi eq, %iota3A, %eq3A_305 : vector<16xi32>
        %ne3A_307 = arith.cmpi ne, %masked_sort3A_282, %gather3A_298 : vector<16xi32>
        %or3A_308 = arith.ori %eq3A_306, %ne3A_307 : vector<16xi1>
        %broadcast_in_dim3A_309 = arith.constant true
        %broadcast_in_dim3A_310 = vector.broadcast %broadcast_in_dim3A_309 : i1 to vector<16xi1>
        %masked_cumsum3A_311 = tpu.scan <sum>, %masked_sort3A_281 masked %broadcast_in_dim3A_310 : vector<16xf32>, vector<16xi1> -> vector<16xf32>
        %sub3A_312 = arith.subf %masked_cumsum3A_311, %masked_sort3A_281 : vector<16xf32>
        %jit3A_313 = arith.constant -3.000000e+38 : f32
        %broadcast_in_dim3A_314 = vector.broadcast %jit3A_313 : f32 to vector<16xf32>
        %select_n3A_315 = arith.select %or3A_303, %sub3A_312, %broadcast_in_dim3A_314 : vector<16xi1>, vector<16xf32>
        %broadcast_in_dim3A_316 = arith.constant true
        %broadcast_in_dim3A_317 = vector.broadcast %broadcast_in_dim3A_316 : i1 to vector<16xi1>
        %masked_cummax3A_318 = tpu.scan <max>, %select_n3A_315 masked %broadcast_in_dim3A_317 : vector<16xf32>, vector<16xi1> -> vector<16xf32>
        %shift_right_arithmetic3A_319 = arith.constant 4 : i32
        %shift_right_arithmetic3A_320 = vector.broadcast %shift_right_arithmetic3A_319 : i32 to vector<16xi32>
        %shift_right_arithmetic3A_321 = arith.shrsi %masked_sort3A_282, %shift_right_arithmetic3A_320 : vector<16xi32>
        %and3A_322 = arith.constant 15 : i32
        %and3A_323 = vector.broadcast %and3A_322 : i32 to vector<16xi32>
        %and3A_324 = arith.andi %masked_sort3A_282, %and3A_323 : vector<16xi32>
        %sub3A_325 = arith.subf %masked_cumsum3A_311, %masked_cummax3A_318 : vector<16xf32>
        tpu.vector_store_idx %arg15[%shift_right_arithmetic3A_321, %and3A_324], %sub3A_325 masked %or3A_308 {add = true} : memref<632x16xf32, #tpu.memory_space<vmem>>[vector<16xi32>, vector<16xi32>], vector<16xf32>, vector<16xi1>
        %get3A_326 = arith.index_cast %mul3A_97 : i32 to index
        %get3A_327 = arith.constant 48 : index
        %get3A_328 = tpu.vector_load %arg11[%get3A_326, %get3A_327] {strides = array<i32>} : memref<16x64xi32, #tpu.memory_space<vmem>>, vector<16xi32>,
        %get3A_329 = arith.index_cast %mul3A_97 : i32 to index
        %get3A_330 = arith.constant 48 : index
        %get3A_331 = tpu.vector_load %arg12[%get3A_329, %get3A_330] {strides = array<i32>} : memref<16x64xi32, #tpu.memory_space<vmem>>, vector<16xi32>,
        %gather3A_332 = tpu.vector_load_idx %arg9[%get3A_328] : memref<10000xf32, #tpu.memory_space<vmem>>[vector<16xi32>], vector<16xf32>,
        %gather3A_333 = tpu.vector_load_idx %arg10[%get3A_331] : memref<10016xf32, #tpu.memory_space<vmem>>[vector<16xi32>], vector<16xf32>,
        %add3A_334 = arith.addf %gather3A_332, %gather3A_333 : vector<16xf32>
        %ge3A_335 = arith.constant 0.000000e+00 : f32
        %ge3A_336 = vector.broadcast %ge3A_335 : f32 to vector<16xf32>
        %ge3A_337 = arith.cmpf oge, %add3A_334, %ge3A_336 : vector<16xf32>
        %mul3A_338 = arith.constant 2.000000e-01 : f32
        %mul3A_339 = vector.broadcast %mul3A_338 : f32 to vector<16xf32>
        %mul3A_340 = arith.mulf %mul3A_339, %add3A_334 : vector<16xf32>
        %select_n3A_341 = arith.select %ge3A_337, %add3A_334, %mul3A_340 : vector<16xi1>, vector<16xf32>
        %exp3A_342 = math.exp %select_n3A_341 : vector<16xf32>
        %mul3A_343 = arith.constant 64 : i32
        %mul3A_344 = arith.muli %mul3A_97, %mul3A_343 : i32
        %add3A_345 = arith.constant 48 : i32
        %add3A_346 = arith.addi %mul3A_344, %add3A_345 : i32
        %swap3A_347 = arith.index_cast %add3A_346 : i32 to index
        %swap3A_348 = tpu.vector_load %arg13[%swap3A_347] {strides = array<i32>} : memref<1024xf32, #tpu.memory_space<vmem>>, vector<16xf32>,
        tpu.vector_store %arg13[%swap3A_347], %exp3A_342 {strides = array<i32>} : memref<1024xf32, #tpu.memory_space<vmem>>, vector<16xf32>,
        %masked_sort3A_349 = arith.constant dense<true> : vector<16xi1>
        %masked_sort3A_350 = arith.constant -2147483648 : i32
        %masked_sort3A_351 = vector.broadcast %masked_sort3A_350 : i32 to vector<16xi32>
        %masked_sort3A_352 = arith.xori %get3A_331, %masked_sort3A_351 : vector<16xi32>
        %masked_sort3A_353, %masked_sort3A_354, %masked_sort3A_355 = tpu.sort %masked_sort3A_352, %exp3A_342 masked %masked_sort3A_349 : (vector<16xi32>, vector<16xf32>, vector<16xi1>) -> (vector<16xi1>, vector<16xi32>, vector<16xf32>)
        %masked_sort3A_356 = arith.xori %masked_sort3A_354, %masked_sort3A_351 : vector<16xi32>
        %swap3A_357 = arith.constant 0 : index
        %swap3A_358 = tpu.vector_load %arg14[%swap3A_357] {strides = array<i32>} : memref<16xi32, #tpu.memory_space<vmem>>, vector<16xi32>,
        tpu.vector_store %arg14[%swap3A_357], %masked_sort3A_356 {strides = array<i32>} : memref<16xi32, #tpu.memory_space<vmem>>, vector<16xi32>,
        %sub3A_359 = arith.constant 1 : i32
        %sub3A_360 = vector.broadcast %sub3A_359 : i32 to vector<16xi32>
        %sub3A_361 = arith.subi %iota3A, %sub3A_360 : vector<16xi32>
        %max3A_362 = arith.constant 0 : i32
        %max3A_363 = vector.broadcast %max3A_362 : i32 to vector<16xi32>
        %max3A_364 = arith.maxsi %sub3A_361, %max3A_363 : vector<16xi32>
        %gather3A_365 = tpu.vector_load_idx %arg14[%max3A_364] : memref<16xi32, #tpu.memory_space<vmem>>[vector<16xi32>], vector<16xi32>,
        %add3A_366 = arith.constant 1 : i32
        %add3A_367 = vector.broadcast %add3A_366 : i32 to vector<16xi32>
        %add3A_368 = arith.addi %iota3A, %add3A_367 : vector<16xi32>
        %min3A_369 = arith.constant 15 : i32
        %min3A_370 = vector.broadcast %min3A_369 : i32 to vector<16xi32>
        %min3A_371 = arith.minsi %add3A_368, %min3A_370 : vector<16xi32>
        %gather3A_372 = tpu.vector_load_idx %arg14[%min3A_371] : memref<16xi32, #tpu.memory_space<vmem>>[vector<16xi32>], vector<16xi32>,
        %eq3A_373 = arith.constant 0 : i32
        %eq3A_374 = vector.broadcast %eq3A_373 : i32 to vector<16xi32>
        %eq3A_375 = arith.cmpi eq, %iota3A, %eq3A_374 : vector<16xi32>
        %ne3A_376 = arith.cmpi ne, %masked_sort3A_356, %gather3A_365 : vector<16xi32>
        %or3A_377 = arith.ori %eq3A_375, %ne3A_376 : vector<16xi1>
        %eq3A_378 = arith.constant 15 : i32
        %eq3A_379 = vector.broadcast %eq3A_378 : i32 to vector<16xi32>
        %eq3A_380 = arith.cmpi eq, %iota3A, %eq3A_379 : vector<16xi32>
        %ne3A_381 = arith.cmpi ne, %masked_sort3A_356, %gather3A_372 : vector<16xi32>
        %or3A_382 = arith.ori %eq3A_380, %ne3A_381 : vector<16xi1>
        %broadcast_in_dim3A_383 = arith.constant true
        %broadcast_in_dim3A_384 = vector.broadcast %broadcast_in_dim3A_383 : i1 to vector<16xi1>
        %masked_cumsum3A_385 = tpu.scan <sum>, %masked_sort3A_355 masked %broadcast_in_dim3A_384 : vector<16xf32>, vector<16xi1> -> vector<16xf32>
        %sub3A_386 = arith.subf %masked_cumsum3A_385, %masked_sort3A_355 : vector<16xf32>
        %jit3A_387 = arith.constant -3.000000e+38 : f32
        %broadcast_in_dim3A_388 = vector.broadcast %jit3A_387 : f32 to vector<16xf32>
        %select_n3A_389 = arith.select %or3A_377, %sub3A_386, %broadcast_in_dim3A_388 : vector<16xi1>, vector<16xf32>
        %broadcast_in_dim3A_390 = arith.constant true
        %broadcast_in_dim3A_391 = vector.broadcast %broadcast_in_dim3A_390 : i1 to vector<16xi1>
        %masked_cummax3A_392 = tpu.scan <max>, %select_n3A_389 masked %broadcast_in_dim3A_391 : vector<16xf32>, vector<16xi1> -> vector<16xf32>
        %shift_right_arithmetic3A_393 = arith.constant 4 : i32
        %shift_right_arithmetic3A_394 = vector.broadcast %shift_right_arithmetic3A_393 : i32 to vector<16xi32>
        %shift_right_arithmetic3A_395 = arith.shrsi %masked_sort3A_356, %shift_right_arithmetic3A_394 : vector<16xi32>
        %and3A_396 = arith.constant 15 : i32
        %and3A_397 = vector.broadcast %and3A_396 : i32 to vector<16xi32>
        %and3A_398 = arith.andi %masked_sort3A_356, %and3A_397 : vector<16xi32>
        %sub3A_399 = arith.subf %masked_cumsum3A_385, %masked_cummax3A_392 : vector<16xf32>
        tpu.vector_store_idx %arg15[%shift_right_arithmetic3A_395, %and3A_398], %sub3A_399 masked %or3A_382 {add = true} : memref<632x16xf32, #tpu.memory_space<vmem>>[vector<16xi32>, vector<16xi32>], vector<16xf32>, vector<16xi1>
        %mul3A_400 = arith.constant 64 : i32
        %mul3A_401 = arith.muli %mul3A_97, %mul3A_400 : i32
        %scan3A_402 = arith.constant 0 : i32
        %scan3A_403 = arith.constant 32 : i32
        %scan3A_404 = arith.addi %scan3A_402, %scan3A_403 : i32
        %scan3A_405 = arith.constant 1 : i32
        scf.for %scan3A_739 = %scan3A_402 to %scan3A_404 step %scan3A_405  : i32 {
          %mul3A_740 = arith.constant 2 : i32
          %mul3A_741 = arith.muli %scan3A_739, %mul3A_740 : i32
          %add3A_742 = arith.addi %mul3A_401, %mul3A_741 : i32
          %broadcast_in_dim3A_743 = vector.broadcast %add3A_742 : i32 to vector<16xi32>
          %gather3A_744 = tpu.vector_load_idx %arg13[%broadcast_in_dim3A_743] : memref<1024xf32, #tpu.memory_space<vmem>>[vector<16xi32>], vector<16xf32>,
          %add3A_745 = arith.addi %mul3A_401, %mul3A_741 : i32
          %add3A_746 = arith.constant 1 : i32
          %add3A_747 = arith.addi %add3A_745, %add3A_746 : i32
          %broadcast_in_dim3A_748 = vector.broadcast %add3A_747 : i32 to vector<16xi32>
          %gather3A_749 = tpu.vector_load_idx %arg13[%broadcast_in_dim3A_748] : memref<1024xf32, #tpu.memory_space<vmem>>[vector<16xi32>], vector<16xf32>,
          %get3A_750 = arith.index_cast %mul3A_741 : i32 to index
          %get3A_751 = arith.constant 0 : index
          %get3A_752 = tpu.vector_load %arg16[%get3A_750, %get3A_751] {strides = array<i32>} : memref<64x128xf32, #tpu.memory_space<vmem>>, vector<16xf32>,
          %mul3A_753 = arith.mulf %get3A_752, %gather3A_744 : vector<16xf32>
          %swap3A_754 = arith.index_cast %mul3A_741 : i32 to index
          %swap3A_755 = arith.constant 0 : index
          %swap3A_756 = tpu.vector_load %arg16[%swap3A_754, %swap3A_755] {strides = array<i32>} : memref<64x128xf32, #tpu.memory_space<vmem>>, vector<16xf32>,
          tpu.vector_store %arg16[%swap3A_754, %swap3A_755], %mul3A_753 {strides = array<i32>} : memref<64x128xf32, #tpu.memory_space<vmem>>, vector<16xf32>,
          %get3A_757 = arith.index_cast %mul3A_741 : i32 to index
          %get3A_758 = arith.constant 16 : index
          %get3A_759 = tpu.vector_load %arg16[%get3A_757, %get3A_758] {strides = array<i32>} : memref<64x128xf32, #tpu.memory_space<vmem>>, vector<16xf32>,
          %mul3A_760 = arith.mulf %get3A_759, %gather3A_744 : vector<16xf32>
          %swap3A_761 = arith.index_cast %mul3A_741 : i32 to index
          %swap3A_762 = arith.constant 16 : index
          %swap3A_763 = tpu.vector_load %arg16[%swap3A_761, %swap3A_762] {strides = array<i32>} : memref<64x128xf32, #tpu.memory_space<vmem>>, vector<16xf32>,
          tpu.vector_store %arg16[%swap3A_761, %swap3A_762], %mul3A_760 {strides = array<i32>} : memref<64x128xf32, #tpu.memory_space<vmem>>, vector<16xf32>,
          %get3A_764 = arith.index_cast %mul3A_741 : i32 to index
          %get3A_765 = arith.constant 32 : index
          %get3A_766 = tpu.vector_load %arg16[%get3A_764, %get3A_765] {strides = array<i32>} : memref<64x128xf32, #tpu.memory_space<vmem>>, vector<16xf32>,
          %mul3A_767 = arith.mulf %get3A_766, %gather3A_744 : vector<16xf32>
          %swap3A_768 = arith.index_cast %mul3A_741 : i32 to index
          %swap3A_769 = arith.constant 32 : index
          %swap3A_770 = tpu.vector_load %arg16[%swap3A_768, %swap3A_769] {strides = array<i32>} : memref<64x128xf32, #tpu.memory_space<vmem>>, vector<16xf32>,
          tpu.vector_store %arg16[%swap3A_768, %swap3A_769], %mul3A_767 {strides = array<i32>} : memref<64x128xf32, #tpu.memory_space<vmem>>, vector<16xf32>,
          %get3A_771 = arith.index_cast %mul3A_741 : i32 to index
          %get3A_772 = arith.constant 48 : index
          %get3A_773 = tpu.vector_load %arg16[%get3A_771, %get3A_772] {strides = array<i32>} : memref<64x128xf32, #tpu.memory_space<vmem>>, vector<16xf32>,
          %mul3A_774 = arith.mulf %get3A_773, %gather3A_744 : vector<16xf32>
          %swap3A_775 = arith.index_cast %mul3A_741 : i32 to index
          %swap3A_776 = arith.constant 48 : index
          %swap3A_777 = tpu.vector_load %arg16[%swap3A_775, %swap3A_776] {strides = array<i32>} : memref<64x128xf32, #tpu.memory_space<vmem>>, vector<16xf32>,
          tpu.vector_store %arg16[%swap3A_775, %swap3A_776], %mul3A_774 {strides = array<i32>} : memref<64x128xf32, #tpu.memory_space<vmem>>, vector<16xf32>,
          %get3A_778 = arith.index_cast %mul3A_741 : i32 to index
          %get3A_779 = arith.constant 64 : index
          %get3A_780 = tpu.vector_load %arg16[%get3A_778, %get3A_779] {strides = array<i32>} : memref<64x128xf32, #tpu.memory_space<vmem>>, vector<16xf32>,
          %mul3A_781 = arith.mulf %get3A_780, %gather3A_744 : vector<16xf32>
          %swap3A_782 = arith.index_cast %mul3A_741 : i32 to index
          %swap3A_783 = arith.constant 64 : index
          %swap3A_784 = tpu.vector_load %arg16[%swap3A_782, %swap3A_783] {strides = array<i32>} : memref<64x128xf32, #tpu.memory_space<vmem>>, vector<16xf32>,
          tpu.vector_store %arg16[%swap3A_782, %swap3A_783], %mul3A_781 {strides = array<i32>} : memref<64x128xf32, #tpu.memory_space<vmem>>, vector<16xf32>,
          %get3A_785 = arith.index_cast %mul3A_741 : i32 to index
          %get3A_786 = arith.constant 80 : index
          %get3A_787 = tpu.vector_load %arg16[%get3A_785, %get3A_786] {strides = array<i32>} : memref<64x128xf32, #tpu.memory_space<vmem>>, vector<16xf32>,
          %mul3A_788 = arith.mulf %get3A_787, %gather3A_744 : vector<16xf32>
          %swap3A_789 = arith.index_cast %mul3A_741 : i32 to index
          %swap3A_790 = arith.constant 80 : index
          %swap3A_791 = tpu.vector_load %arg16[%swap3A_789, %swap3A_790] {strides = array<i32>} : memref<64x128xf32, #tpu.memory_space<vmem>>, vector<16xf32>,
          tpu.vector_store %arg16[%swap3A_789, %swap3A_790], %mul3A_788 {strides = array<i32>} : memref<64x128xf32, #tpu.memory_space<vmem>>, vector<16xf32>,
          %get3A_792 = arith.index_cast %mul3A_741 : i32 to index
          %get3A_793 = arith.constant 96 : index
          %get3A_794 = tpu.vector_load %arg16[%get3A_792, %get3A_793] {strides = array<i32>} : memref<64x128xf32, #tpu.memory_space<vmem>>, vector<16xf32>,
          %mul3A_795 = arith.mulf %get3A_794, %gather3A_744 : vector<16xf32>
          %swap3A_796 = arith.index_cast %mul3A_741 : i32 to index
          %swap3A_797 = arith.constant 96 : index
          %swap3A_798 = tpu.vector_load %arg16[%swap3A_796, %swap3A_797] {strides = array<i32>} : memref<64x128xf32, #tpu.memory_space<vmem>>, vector<16xf32>,
          tpu.vector_store %arg16[%swap3A_796, %swap3A_797], %mul3A_795 {strides = array<i32>} : memref<64x128xf32, #tpu.memory_space<vmem>>, vector<16xf32>,
          %get3A_799 = arith.index_cast %mul3A_741 : i32 to index
          %get3A_800 = arith.constant 112 : index
          %get3A_801 = tpu.vector_load %arg16[%get3A_799, %get3A_800] {strides = array<i32>} : memref<64x128xf32, #tpu.memory_space<vmem>>, vector<16xf32>,
          %mul3A_802 = arith.mulf %get3A_801, %gather3A_744 : vector<16xf32>
          %swap3A_803 = arith.index_cast %mul3A_741 : i32 to index
          %swap3A_804 = arith.constant 112 : index
          %swap3A_805 = tpu.vector_load %arg16[%swap3A_803, %swap3A_804] {strides = array<i32>} : memref<64x128xf32, #tpu.memory_space<vmem>>, vector<16xf32>,
          tpu.vector_store %arg16[%swap3A_803, %swap3A_804], %mul3A_802 {strides = array<i32>} : memref<64x128xf32, #tpu.memory_space<vmem>>, vector<16xf32>,
          %add3A_806 = arith.constant 1 : i32
          %add3A_807 = arith.addi %mul3A_741, %add3A_806 : i32
          %get3A_808 = arith.index_cast %add3A_807 : i32 to index
          %get3A_809 = arith.constant 0 : index
          %get3A_810 = tpu.vector_load %arg16[%get3A_808, %get3A_809] {strides = array<i32>} : memref<64x128xf32, #tpu.memory_space<vmem>>, vector<16xf32>,
          %mul3A_811 = arith.mulf %get3A_810, %gather3A_749 : vector<16xf32>
          %add3A_812 = arith.constant 1 : i32
          %add3A_813 = arith.addi %mul3A_741, %add3A_812 : i32
          %swap3A_814 = arith.index_cast %add3A_813 : i32 to index
          %swap3A_815 = arith.constant 0 : index
          %swap3A_816 = tpu.vector_load %arg16[%swap3A_814, %swap3A_815] {strides = array<i32>} : memref<64x128xf32, #tpu.memory_space<vmem>>, vector<16xf32>,
          tpu.vector_store %arg16[%swap3A_814, %swap3A_815], %mul3A_811 {strides = array<i32>} : memref<64x128xf32, #tpu.memory_space<vmem>>, vector<16xf32>,
          %add3A_817 = arith.constant 1 : i32
          %add3A_818 = arith.addi %mul3A_741, %add3A_817 : i32
          %get3A_819 = arith.index_cast %add3A_818 : i32 to index
          %get3A_820 = arith.constant 16 : index
          %get3A_821 = tpu.vector_load %arg16[%get3A_819, %get3A_820] {strides = array<i32>} : memref<64x128xf32, #tpu.memory_space<vmem>>, vector<16xf32>,
          %mul3A_822 = arith.mulf %get3A_821, %gather3A_749 : vector<16xf32>
          %add3A_823 = arith.constant 1 : i32
          %add3A_824 = arith.addi %mul3A_741, %add3A_823 : i32
          %swap3A_825 = arith.index_cast %add3A_824 : i32 to index
          %swap3A_826 = arith.constant 16 : index
          %swap3A_827 = tpu.vector_load %arg16[%swap3A_825, %swap3A_826] {strides = array<i32>} : memref<64x128xf32, #tpu.memory_space<vmem>>, vector<16xf32>,
          tpu.vector_store %arg16[%swap3A_825, %swap3A_826], %mul3A_822 {strides = array<i32>} : memref<64x128xf32, #tpu.memory_space<vmem>>, vector<16xf32>,
          %add3A_828 = arith.constant 1 : i32
          %add3A_829 = arith.addi %mul3A_741, %add3A_828 : i32
          %get3A_830 = arith.index_cast %add3A_829 : i32 to index
          %get3A_831 = arith.constant 32 : index
          %get3A_832 = tpu.vector_load %arg16[%get3A_830, %get3A_831] {strides = array<i32>} : memref<64x128xf32, #tpu.memory_space<vmem>>, vector<16xf32>,
          %mul3A_833 = arith.mulf %get3A_832, %gather3A_749 : vector<16xf32>
          %add3A_834 = arith.constant 1 : i32
          %add3A_835 = arith.addi %mul3A_741, %add3A_834 : i32
          %swap3A_836 = arith.index_cast %add3A_835 : i32 to index
          %swap3A_837 = arith.constant 32 : index
          %swap3A_838 = tpu.vector_load %arg16[%swap3A_836, %swap3A_837] {strides = array<i32>} : memref<64x128xf32, #tpu.memory_space<vmem>>, vector<16xf32>,
          tpu.vector_store %arg16[%swap3A_836, %swap3A_837], %mul3A_833 {strides = array<i32>} : memref<64x128xf32, #tpu.memory_space<vmem>>, vector<16xf32>,
          %add3A_839 = arith.constant 1 : i32
          %add3A_840 = arith.addi %mul3A_741, %add3A_839 : i32
          %get3A_841 = arith.index_cast %add3A_840 : i32 to index
          %get3A_842 = arith.constant 48 : index
          %get3A_843 = tpu.vector_load %arg16[%get3A_841, %get3A_842] {strides = array<i32>} : memref<64x128xf32, #tpu.memory_space<vmem>>, vector<16xf32>,
          %mul3A_844 = arith.mulf %get3A_843, %gather3A_749 : vector<16xf32>
          %add3A_845 = arith.constant 1 : i32
          %add3A_846 = arith.addi %mul3A_741, %add3A_845 : i32
          %swap3A_847 = arith.index_cast %add3A_846 : i32 to index
          %swap3A_848 = arith.constant 48 : index
          %swap3A_849 = tpu.vector_load %arg16[%swap3A_847, %swap3A_848] {strides = array<i32>} : memref<64x128xf32, #tpu.memory_space<vmem>>, vector<16xf32>,
          tpu.vector_store %arg16[%swap3A_847, %swap3A_848], %mul3A_844 {strides = array<i32>} : memref<64x128xf32, #tpu.memory_space<vmem>>, vector<16xf32>,
          %add3A_850 = arith.constant 1 : i32
          %add3A_851 = arith.addi %mul3A_741, %add3A_850 : i32
          %get3A_852 = arith.index_cast %add3A_851 : i32 to index
          %get3A_853 = arith.constant 64 : index
          %get3A_854 = tpu.vector_load %arg16[%get3A_852, %get3A_853] {strides = array<i32>} : memref<64x128xf32, #tpu.memory_space<vmem>>, vector<16xf32>,
          %mul3A_855 = arith.mulf %get3A_854, %gather3A_749 : vector<16xf32>
          %add3A_856 = arith.constant 1 : i32
          %add3A_857 = arith.addi %mul3A_741, %add3A_856 : i32
          %swap3A_858 = arith.index_cast %add3A_857 : i32 to index
          %swap3A_859 = arith.constant 64 : index
          %swap3A_860 = tpu.vector_load %arg16[%swap3A_858, %swap3A_859] {strides = array<i32>} : memref<64x128xf32, #tpu.memory_space<vmem>>, vector<16xf32>,
          tpu.vector_store %arg16[%swap3A_858, %swap3A_859], %mul3A_855 {strides = array<i32>} : memref<64x128xf32, #tpu.memory_space<vmem>>, vector<16xf32>,
          %add3A_861 = arith.constant 1 : i32
          %add3A_862 = arith.addi %mul3A_741, %add3A_861 : i32
          %get3A_863 = arith.index_cast %add3A_862 : i32 to index
          %get3A_864 = arith.constant 80 : index
          %get3A_865 = tpu.vector_load %arg16[%get3A_863, %get3A_864] {strides = array<i32>} : memref<64x128xf32, #tpu.memory_space<vmem>>, vector<16xf32>,
          %mul3A_866 = arith.mulf %get3A_865, %gather3A_749 : vector<16xf32>
          %add3A_867 = arith.constant 1 : i32
          %add3A_868 = arith.addi %mul3A_741, %add3A_867 : i32
          %swap3A_869 = arith.index_cast %add3A_868 : i32 to index
          %swap3A_870 = arith.constant 80 : index
          %swap3A_871 = tpu.vector_load %arg16[%swap3A_869, %swap3A_870] {strides = array<i32>} : memref<64x128xf32, #tpu.memory_space<vmem>>, vector<16xf32>,
          tpu.vector_store %arg16[%swap3A_869, %swap3A_870], %mul3A_866 {strides = array<i32>} : memref<64x128xf32, #tpu.memory_space<vmem>>, vector<16xf32>,
          %add3A_872 = arith.constant 1 : i32
          %add3A_873 = arith.addi %mul3A_741, %add3A_872 : i32
          %get3A_874 = arith.index_cast %add3A_873 : i32 to index
          %get3A_875 = arith.constant 96 : index
          %get3A_876 = tpu.vector_load %arg16[%get3A_874, %get3A_875] {strides = array<i32>} : memref<64x128xf32, #tpu.memory_space<vmem>>, vector<16xf32>,
          %mul3A_877 = arith.mulf %get3A_876, %gather3A_749 : vector<16xf32>
          %add3A_878 = arith.constant 1 : i32
          %add3A_879 = arith.addi %mul3A_741, %add3A_878 : i32
          %swap3A_880 = arith.index_cast %add3A_879 : i32 to index
          %swap3A_881 = arith.constant 96 : index
          %swap3A_882 = tpu.vector_load %arg16[%swap3A_880, %swap3A_881] {strides = array<i32>} : memref<64x128xf32, #tpu.memory_space<vmem>>, vector<16xf32>,
          tpu.vector_store %arg16[%swap3A_880, %swap3A_881], %mul3A_877 {strides = array<i32>} : memref<64x128xf32, #tpu.memory_space<vmem>>, vector<16xf32>,
          %add3A_883 = arith.constant 1 : i32
          %add3A_884 = arith.addi %mul3A_741, %add3A_883 : i32
          %get3A_885 = arith.index_cast %add3A_884 : i32 to index
          %get3A_886 = arith.constant 112 : index
          %get3A_887 = tpu.vector_load %arg16[%get3A_885, %get3A_886] {strides = array<i32>} : memref<64x128xf32, #tpu.memory_space<vmem>>, vector<16xf32>,
          %mul3A_888 = arith.mulf %get3A_887, %gather3A_749 : vector<16xf32>
          %add3A_889 = arith.constant 1 : i32
          %add3A_890 = arith.addi %mul3A_741, %add3A_889 : i32
          %swap3A_891 = arith.index_cast %add3A_890 : i32 to index
          %swap3A_892 = arith.constant 112 : index
          %swap3A_893 = tpu.vector_load %arg16[%swap3A_891, %swap3A_892] {strides = array<i32>} : memref<64x128xf32, #tpu.memory_space<vmem>>, vector<16xf32>,
          tpu.vector_store %arg16[%swap3A_891, %swap3A_892], %mul3A_888 {strides = array<i32>} : memref<64x128xf32, #tpu.memory_space<vmem>>, vector<16xf32>,
        }
        %scan3A_406 = arith.constant 32 : i32
        %dma_start3A = arith.constant 0 : i32
        %dma_start3A_407 = tpu.memref_slice %arg12[%mul3A_97, %dma_start3A] : memref<16x64xi32, #tpu.memory_space<vmem>> -> memref<1x64xi32, #tpu.memory_space<vmem>>
        %dma_start3A_408 = tpu.memref_squeeze %dma_start3A_407 : memref<1x64xi32, #tpu.memory_space<vmem>> -> memref<64xi32, #tpu.memory_space<vmem>>
        %dma_start3A_409 = arith.constant 0 : i32
        %dma_start3A_410 = arith.constant 0 : i32
        %dma_start3A_411 = tpu.memref_slice %arg22[%dma_start3A_409, %dma_start3A_410] : memref<10112x128xf32, #tpu.memory_space<vmem_shared>> -> memref<10112x128xf32, #tpu.memory_space<vmem_shared>>
        tpu.enqueue_indirect_dma source(%arg16 : memref<64x128xf32, #tpu.memory_space<vmem>>) target(%dma_start3A_411 : memref<10112x128xf32, #tpu.memory_space<vmem_shared>>) offsets(%dma_start3A_408 : memref<64xi32, #tpu.memory_space<vmem>>) semaphore(%arg20 : memref<!tpu.dma_semaphore, #tpu.memory_space<semaphore_mem>>) {add = true}
        %dma_wait3A_412 = arith.constant 0 : i32
        %dma_wait3A_413 = tpu.memref_slice %arg12[%mul3A_97, %dma_wait3A_412] : memref<16x64xi32, #tpu.memory_space<vmem>> -> memref<1x64xi32, #tpu.memory_space<vmem>>
        %dma_wait3A_414 = tpu.memref_squeeze %dma_wait3A_413 : memref<1x64xi32, #tpu.memory_space<vmem>> -> memref<64xi32, #tpu.memory_space<vmem>>
        %dma_wait3A_415 = arith.constant 0 : i32
        %dma_wait3A_416 = arith.constant 0 : i32
        %dma_wait3A_417 = tpu.memref_slice %arg22[%dma_wait3A_415, %dma_wait3A_416] : memref<10112x128xf32, #tpu.memory_space<vmem_shared>> -> memref<10112x128xf32, #tpu.memory_space<vmem_shared>>
        tpu.wait_indirect_dma semaphore(%arg20 : memref<!tpu.dma_semaphore, #tpu.memory_space<semaphore_mem>>) src(%arg16 : memref<64x128xf32, #tpu.memory_space<vmem>>) dst(%dma_wait3A_417 : memref<10112x128xf32, #tpu.memory_space<vmem_shared>>)
        %lt3A = arith.constant 7 : i32
        %lt3A_418 = arith.cmpi slt, %scan3A_95, %lt3A : i32
        %convert_element_type3A_419 = arith.extui %lt3A_418 : i1 to i32
        %cond3A_420 = arith.constant 0 : i32
        %cond3A_421 = arith.cmpi ne, %convert_element_type3A_419, %cond3A_420 : i32
        scf.if %cond3A_421 {
          %add3A_739 = arith.constant 2 : i32
          %add3A_740 = arith.addi %mul3A_97, %add3A_739 : i32
          %eq3A_741 = arith.constant 0 : i32
          %eq3A_742 = arith.cmpi eq, %arg0, %eq3A_741 : i32
          %convert_element_type3A_743 = arith.extui %eq3A_742 : i1 to i32
          %cond3A_744 = arith.constant 0 : i32
          %cond3A_745 = arith.cmpi ne, %convert_element_type3A_743, %cond3A_744 : i32
          scf.if %cond3A_745 {
            %dma_start3A_751 = arith.constant 0 : i32
            %dma_start3A_752 = tpu.memref_slice %arg11[%add3A_740, %dma_start3A_751] : memref<16x64xi32, #tpu.memory_space<vmem>> -> memref<1x64xi32, #tpu.memory_space<vmem>>
            %dma_start3A_753 = tpu.memref_squeeze %dma_start3A_752 : memref<1x64xi32, #tpu.memory_space<vmem>> -> memref<64xi32, #tpu.memory_space<vmem>>
            %dma_start3A_754 = arith.constant 0 : i32
            %dma_start3A_755 = arith.constant 0 : i32
            %dma_start3A_756 = tpu.memref_slice %arg2[%dma_start3A_754, %dma_start3A_755] : memref<10240x128xf32, #tpu.memory_space<hbm>> -> memref<10240x128xf32, #tpu.memory_space<hbm>>
            tpu.enqueue_indirect_dma source(%dma_start3A_756 : memref<10240x128xf32, #tpu.memory_space<hbm>>) target(%arg16 : memref<64x128xf32, #tpu.memory_space<vmem>>) offsets(%dma_start3A_753 : memref<64xi32, #tpu.memory_space<vmem>>) semaphore(%arg18 : memref<!tpu.dma_semaphore, #tpu.memory_space<semaphore_mem>>)
          } else {
          }
          %eq3A_746 = arith.constant 1 : i32
          %eq3A_747 = arith.cmpi eq, %arg0, %eq3A_746 : i32
          %convert_element_type3A_748 = arith.extui %eq3A_747 : i1 to i32
          %cond3A_749 = arith.constant 0 : i32
          %cond3A_750 = arith.cmpi ne, %convert_element_type3A_748, %cond3A_749 : i32
          scf.if %cond3A_750 {
            %dma_start3A_751 = arith.constant 0 : i32
            %dma_start3A_752 = tpu.memref_slice %arg11[%add3A_740, %dma_start3A_751] : memref<16x64xi32, #tpu.memory_space<vmem>> -> memref<1x64xi32, #tpu.memory_space<vmem>>
            %dma_start3A_753 = tpu.memref_squeeze %dma_start3A_752 : memref<1x64xi32, #tpu.memory_space<vmem>> -> memref<64xi32, #tpu.memory_space<vmem>>
            %dma_start3A_754 = arith.constant 0 : i32
            %dma_start3A_755 = arith.constant 0 : i32
            %dma_start3A_756 = tpu.memref_slice %arg3[%dma_start3A_754, %dma_start3A_755] : memref<10240x128xf32, #tpu.memory_space<hbm>> -> memref<10240x128xf32, #tpu.memory_space<hbm>>
            tpu.enqueue_indirect_dma source(%dma_start3A_756 : memref<10240x128xf32, #tpu.memory_space<hbm>>) target(%arg16 : memref<64x128xf32, #tpu.memory_space<vmem>>) offsets(%dma_start3A_753 : memref<64xi32, #tpu.memory_space<vmem>>) semaphore(%arg18 : memref<!tpu.dma_semaphore, #tpu.memory_space<semaphore_mem>>)
          } else {
          }
        } else {
        }
        %add3A_422 = arith.constant 1 : i32
        %add3A_423 = arith.addi %mul3A_97, %add3A_422 : i32
        %dma_wait3A_424 = arith.constant 0 : i32
        %dma_wait3A_425 = tpu.memref_slice %arg11[%add3A_423, %dma_wait3A_424] : memref<16x64xi32, #tpu.memory_space<vmem>> -> memref<1x64xi32, #tpu.memory_space<vmem>>
        %dma_wait3A_426 = tpu.memref_squeeze %dma_wait3A_425 : memref<1x64xi32, #tpu.memory_space<vmem>> -> memref<64xi32, #tpu.memory_space<vmem>>
        %dma_wait3A_427 = arith.constant 0 : i32
        %dma_wait3A_428 = arith.constant 0 : i32
        %dma_wait3A_429 = tpu.memref_slice %arg2[%dma_wait3A_427, %dma_wait3A_428] : memref<10240x128xf32, #tpu.memory_space<hbm>> -> memref<10240x128xf32, #tpu.memory_space<hbm>>
        tpu.wait_indirect_dma semaphore(%arg19 : memref<!tpu.dma_semaphore, #tpu.memory_space<semaphore_mem>>) src(%dma_wait3A_429 : memref<10240x128xf32, #tpu.memory_space<hbm>>) dst(%arg17 : memref<64x128xf32, #tpu.memory_space<vmem>>)
        %get3A_430 = arith.index_cast %add3A_423 : i32 to index
        %get3A_431 = arith.constant 0 : index
        %get3A_432 = tpu.vector_load %arg11[%get3A_430, %get3A_431] {strides = array<i32>} : memref<16x64xi32, #tpu.memory_space<vmem>>, vector<16xi32>,
        %get3A_433 = arith.index_cast %add3A_423 : i32 to index
        %get3A_434 = arith.constant 0 : index
        %get3A_435 = tpu.vector_load %arg12[%get3A_433, %get3A_434] {strides = array<i32>} : memref<16x64xi32, #tpu.memory_space<vmem>>, vector<16xi32>,
        %gather3A_436 = tpu.vector_load_idx %arg9[%get3A_432] : memref<10000xf32, #tpu.memory_space<vmem>>[vector<16xi32>], vector<16xf32>,
        %gather3A_437 = tpu.vector_load_idx %arg10[%get3A_435] : memref<10016xf32, #tpu.memory_space<vmem>>[vector<16xi32>], vector<16xf32>,
        %add3A_438 = arith.addf %gather3A_436, %gather3A_437 : vector<16xf32>
        %ge3A_439 = arith.constant 0.000000e+00 : f32
        %ge3A_440 = vector.broadcast %ge3A_439 : f32 to vector<16xf32>
        %ge3A_441 = arith.cmpf oge, %add3A_438, %ge3A_440 : vector<16xf32>
        %mul3A_442 = arith.constant 2.000000e-01 : f32
        %mul3A_443 = vector.broadcast %mul3A_442 : f32 to vector<16xf32>
        %mul3A_444 = arith.mulf %mul3A_443, %add3A_438 : vector<16xf32>
        %select_n3A_445 = arith.select %ge3A_441, %add3A_438, %mul3A_444 : vector<16xi1>, vector<16xf32>
        %exp3A_446 = math.exp %select_n3A_445 : vector<16xf32>
        %mul3A_447 = arith.constant 64 : i32
        %mul3A_448 = arith.muli %add3A_423, %mul3A_447 : i32
        %add3A_449 = arith.constant 0 : i32
        %add3A_450 = arith.addi %mul3A_448, %add3A_449 : i32
        %swap3A_451 = arith.index_cast %add3A_450 : i32 to index
        %swap3A_452 = tpu.vector_load %arg13[%swap3A_451] {strides = array<i32>} : memref<1024xf32, #tpu.memory_space<vmem>>, vector<16xf32>,
        tpu.vector_store %arg13[%swap3A_451], %exp3A_446 {strides = array<i32>} : memref<1024xf32, #tpu.memory_space<vmem>>, vector<16xf32>,
        %masked_sort3A_453 = arith.constant dense<true> : vector<16xi1>
        %masked_sort3A_454 = arith.constant -2147483648 : i32
        %masked_sort3A_455 = vector.broadcast %masked_sort3A_454 : i32 to vector<16xi32>
        %masked_sort3A_456 = arith.xori %get3A_435, %masked_sort3A_455 : vector<16xi32>
        %masked_sort3A_457, %masked_sort3A_458, %masked_sort3A_459 = tpu.sort %masked_sort3A_456, %exp3A_446 masked %masked_sort3A_453 : (vector<16xi32>, vector<16xf32>, vector<16xi1>) -> (vector<16xi1>, vector<16xi32>, vector<16xf32>)
        %masked_sort3A_460 = arith.xori %masked_sort3A_458, %masked_sort3A_455 : vector<16xi32>
        %swap3A_461 = arith.constant 0 : index
        %swap3A_462 = tpu.vector_load %arg14[%swap3A_461] {strides = array<i32>} : memref<16xi32, #tpu.memory_space<vmem>>, vector<16xi32>,
        tpu.vector_store %arg14[%swap3A_461], %masked_sort3A_460 {strides = array<i32>} : memref<16xi32, #tpu.memory_space<vmem>>, vector<16xi32>,
        %sub3A_463 = arith.constant 1 : i32
        %sub3A_464 = vector.broadcast %sub3A_463 : i32 to vector<16xi32>
        %sub3A_465 = arith.subi %iota3A, %sub3A_464 : vector<16xi32>
        %max3A_466 = arith.constant 0 : i32
        %max3A_467 = vector.broadcast %max3A_466 : i32 to vector<16xi32>
        %max3A_468 = arith.maxsi %sub3A_465, %max3A_467 : vector<16xi32>
        %gather3A_469 = tpu.vector_load_idx %arg14[%max3A_468] : memref<16xi32, #tpu.memory_space<vmem>>[vector<16xi32>], vector<16xi32>,
        %add3A_470 = arith.constant 1 : i32
        %add3A_471 = vector.broadcast %add3A_470 : i32 to vector<16xi32>
        %add3A_472 = arith.addi %iota3A, %add3A_471 : vector<16xi32>
        %min3A_473 = arith.constant 15 : i32
        %min3A_474 = vector.broadcast %min3A_473 : i32 to vector<16xi32>
        %min3A_475 = arith.minsi %add3A_472, %min3A_474 : vector<16xi32>
        %gather3A_476 = tpu.vector_load_idx %arg14[%min3A_475] : memref<16xi32, #tpu.memory_space<vmem>>[vector<16xi32>], vector<16xi32>,
        %eq3A_477 = arith.constant 0 : i32
        %eq3A_478 = vector.broadcast %eq3A_477 : i32 to vector<16xi32>
        %eq3A_479 = arith.cmpi eq, %iota3A, %eq3A_478 : vector<16xi32>
        %ne3A_480 = arith.cmpi ne, %masked_sort3A_460, %gather3A_469 : vector<16xi32>
        %or3A_481 = arith.ori %eq3A_479, %ne3A_480 : vector<16xi1>
        %eq3A_482 = arith.constant 15 : i32
        %eq3A_483 = vector.broadcast %eq3A_482 : i32 to vector<16xi32>
        %eq3A_484 = arith.cmpi eq, %iota3A, %eq3A_483 : vector<16xi32>
        %ne3A_485 = arith.cmpi ne, %masked_sort3A_460, %gather3A_476 : vector<16xi32>
        %or3A_486 = arith.ori %eq3A_484, %ne3A_485 : vector<16xi1>
        %broadcast_in_dim3A_487 = arith.constant true
        %broadcast_in_dim3A_488 = vector.broadcast %broadcast_in_dim3A_487 : i1 to vector<16xi1>
        %masked_cumsum3A_489 = tpu.scan <sum>, %masked_sort3A_459 masked %broadcast_in_dim3A_488 : vector<16xf32>, vector<16xi1> -> vector<16xf32>
        %sub3A_490 = arith.subf %masked_cumsum3A_489, %masked_sort3A_459 : vector<16xf32>
        %jit3A_491 = arith.constant -3.000000e+38 : f32
        %broadcast_in_dim3A_492 = vector.broadcast %jit3A_491 : f32 to vector<16xf32>
        %select_n3A_493 = arith.select %or3A_481, %sub3A_490, %broadcast_in_dim3A_492 : vector<16xi1>, vector<16xf32>
        %broadcast_in_dim3A_494 = arith.constant true
        %broadcast_in_dim3A_495 = vector.broadcast %broadcast_in_dim3A_494 : i1 to vector<16xi1>
        %masked_cummax3A_496 = tpu.scan <max>, %select_n3A_493 masked %broadcast_in_dim3A_495 : vector<16xf32>, vector<16xi1> -> vector<16xf32>
        %shift_right_arithmetic3A_497 = arith.constant 4 : i32
        %shift_right_arithmetic3A_498 = vector.broadcast %shift_right_arithmetic3A_497 : i32 to vector<16xi32>
        %shift_right_arithmetic3A_499 = arith.shrsi %masked_sort3A_460, %shift_right_arithmetic3A_498 : vector<16xi32>
        %and3A_500 = arith.constant 15 : i32
        %and3A_501 = vector.broadcast %and3A_500 : i32 to vector<16xi32>
        %and3A_502 = arith.andi %masked_sort3A_460, %and3A_501 : vector<16xi32>
        %sub3A_503 = arith.subf %masked_cumsum3A_489, %masked_cummax3A_496 : vector<16xf32>
        tpu.vector_store_idx %arg15[%shift_right_arithmetic3A_499, %and3A_502], %sub3A_503 masked %or3A_486 {add = true} : memref<632x16xf32, #tpu.memory_space<vmem>>[vector<16xi32>, vector<16xi32>], vector<16xf32>, vector<16xi1>
        %get3A_504 = arith.index_cast %add3A_423 : i32 to index
        %get3A_505 = arith.constant 16 : index
        %get3A_506 = tpu.vector_load %arg11[%get3A_504, %get3A_505] {strides = array<i32>} : memref<16x64xi32, #tpu.memory_space<vmem>>, vector<16xi32>,
        %get3A_507 = arith.index_cast %add3A_423 : i32 to index
        %get3A_508 = arith.constant 16 : index
        %get3A_509 = tpu.vector_load %arg12[%get3A_507, %get3A_508] {strides = array<i32>} : memref<16x64xi32, #tpu.memory_space<vmem>>, vector<16xi32>,
        %gather3A_510 = tpu.vector_load_idx %arg9[%get3A_506] : memref<10000xf32, #tpu.memory_space<vmem>>[vector<16xi32>], vector<16xf32>,
        %gather3A_511 = tpu.vector_load_idx %arg10[%get3A_509] : memref<10016xf32, #tpu.memory_space<vmem>>[vector<16xi32>], vector<16xf32>,
        %add3A_512 = arith.addf %gather3A_510, %gather3A_511 : vector<16xf32>
        %ge3A_513 = arith.constant 0.000000e+00 : f32
        %ge3A_514 = vector.broadcast %ge3A_513 : f32 to vector<16xf32>
        %ge3A_515 = arith.cmpf oge, %add3A_512, %ge3A_514 : vector<16xf32>
        %mul3A_516 = arith.constant 2.000000e-01 : f32
        %mul3A_517 = vector.broadcast %mul3A_516 : f32 to vector<16xf32>
        %mul3A_518 = arith.mulf %mul3A_517, %add3A_512 : vector<16xf32>
        %select_n3A_519 = arith.select %ge3A_515, %add3A_512, %mul3A_518 : vector<16xi1>, vector<16xf32>
        %exp3A_520 = math.exp %select_n3A_519 : vector<16xf32>
        %mul3A_521 = arith.constant 64 : i32
        %mul3A_522 = arith.muli %add3A_423, %mul3A_521 : i32
        %add3A_523 = arith.constant 16 : i32
        %add3A_524 = arith.addi %mul3A_522, %add3A_523 : i32
        %swap3A_525 = arith.index_cast %add3A_524 : i32 to index
        %swap3A_526 = tpu.vector_load %arg13[%swap3A_525] {strides = array<i32>} : memref<1024xf32, #tpu.memory_space<vmem>>, vector<16xf32>,
        tpu.vector_store %arg13[%swap3A_525], %exp3A_520 {strides = array<i32>} : memref<1024xf32, #tpu.memory_space<vmem>>, vector<16xf32>,
        %masked_sort3A_527 = arith.constant dense<true> : vector<16xi1>
        %masked_sort3A_528 = arith.constant -2147483648 : i32
        %masked_sort3A_529 = vector.broadcast %masked_sort3A_528 : i32 to vector<16xi32>
        %masked_sort3A_530 = arith.xori %get3A_509, %masked_sort3A_529 : vector<16xi32>
        %masked_sort3A_531, %masked_sort3A_532, %masked_sort3A_533 = tpu.sort %masked_sort3A_530, %exp3A_520 masked %masked_sort3A_527 : (vector<16xi32>, vector<16xf32>, vector<16xi1>) -> (vector<16xi1>, vector<16xi32>, vector<16xf32>)
        %masked_sort3A_534 = arith.xori %masked_sort3A_532, %masked_sort3A_529 : vector<16xi32>
        %swap3A_535 = arith.constant 0 : index
        %swap3A_536 = tpu.vector_load %arg14[%swap3A_535] {strides = array<i32>} : memref<16xi32, #tpu.memory_space<vmem>>, vector<16xi32>,
        tpu.vector_store %arg14[%swap3A_535], %masked_sort3A_534 {strides = array<i32>} : memref<16xi32, #tpu.memory_space<vmem>>, vector<16xi32>,
        %sub3A_537 = arith.constant 1 : i32
        %sub3A_538 = vector.broadcast %sub3A_537 : i32 to vector<16xi32>
        %sub3A_539 = arith.subi %iota3A, %sub3A_538 : vector<16xi32>
        %max3A_540 = arith.constant 0 : i32
        %max3A_541 = vector.broadcast %max3A_540 : i32 to vector<16xi32>
        %max3A_542 = arith.maxsi %sub3A_539, %max3A_541 : vector<16xi32>
        %gather3A_543 = tpu.vector_load_idx %arg14[%max3A_542] : memref<16xi32, #tpu.memory_space<vmem>>[vector<16xi32>], vector<16xi32>,
        %add3A_544 = arith.constant 1 : i32
        %add3A_545 = vector.broadcast %add3A_544 : i32 to vector<16xi32>
        %add3A_546 = arith.addi %iota3A, %add3A_545 : vector<16xi32>
        %min3A_547 = arith.constant 15 : i32
        %min3A_548 = vector.broadcast %min3A_547 : i32 to vector<16xi32>
        %min3A_549 = arith.minsi %add3A_546, %min3A_548 : vector<16xi32>
        %gather3A_550 = tpu.vector_load_idx %arg14[%min3A_549] : memref<16xi32, #tpu.memory_space<vmem>>[vector<16xi32>], vector<16xi32>,
        %eq3A_551 = arith.constant 0 : i32
        %eq3A_552 = vector.broadcast %eq3A_551 : i32 to vector<16xi32>
        %eq3A_553 = arith.cmpi eq, %iota3A, %eq3A_552 : vector<16xi32>
        %ne3A_554 = arith.cmpi ne, %masked_sort3A_534, %gather3A_543 : vector<16xi32>
        %or3A_555 = arith.ori %eq3A_553, %ne3A_554 : vector<16xi1>
        %eq3A_556 = arith.constant 15 : i32
        %eq3A_557 = vector.broadcast %eq3A_556 : i32 to vector<16xi32>
        %eq3A_558 = arith.cmpi eq, %iota3A, %eq3A_557 : vector<16xi32>
        %ne3A_559 = arith.cmpi ne, %masked_sort3A_534, %gather3A_550 : vector<16xi32>
        %or3A_560 = arith.ori %eq3A_558, %ne3A_559 : vector<16xi1>
        %broadcast_in_dim3A_561 = arith.constant true
        %broadcast_in_dim3A_562 = vector.broadcast %broadcast_in_dim3A_561 : i1 to vector<16xi1>
        %masked_cumsum3A_563 = tpu.scan <sum>, %masked_sort3A_533 masked %broadcast_in_dim3A_562 : vector<16xf32>, vector<16xi1> -> vector<16xf32>
        %sub3A_564 = arith.subf %masked_cumsum3A_563, %masked_sort3A_533 : vector<16xf32>
        %jit3A_565 = arith.constant -3.000000e+38 : f32
        %broadcast_in_dim3A_566 = vector.broadcast %jit3A_565 : f32 to vector<16xf32>
        %select_n3A_567 = arith.select %or3A_555, %sub3A_564, %broadcast_in_dim3A_566 : vector<16xi1>, vector<16xf32>
        %broadcast_in_dim3A_568 = arith.constant true
        %broadcast_in_dim3A_569 = vector.broadcast %broadcast_in_dim3A_568 : i1 to vector<16xi1>
        %masked_cummax3A_570 = tpu.scan <max>, %select_n3A_567 masked %broadcast_in_dim3A_569 : vector<16xf32>, vector<16xi1> -> vector<16xf32>
        %shift_right_arithmetic3A_571 = arith.constant 4 : i32
        %shift_right_arithmetic3A_572 = vector.broadcast %shift_right_arithmetic3A_571 : i32 to vector<16xi32>
        %shift_right_arithmetic3A_573 = arith.shrsi %masked_sort3A_534, %shift_right_arithmetic3A_572 : vector<16xi32>
        %and3A_574 = arith.constant 15 : i32
        %and3A_575 = vector.broadcast %and3A_574 : i32 to vector<16xi32>
        %and3A_576 = arith.andi %masked_sort3A_534, %and3A_575 : vector<16xi32>
        %sub3A_577 = arith.subf %masked_cumsum3A_563, %masked_cummax3A_570 : vector<16xf32>
        tpu.vector_store_idx %arg15[%shift_right_arithmetic3A_573, %and3A_576], %sub3A_577 masked %or3A_560 {add = true} : memref<632x16xf32, #tpu.memory_space<vmem>>[vector<16xi32>, vector<16xi32>], vector<16xf32>, vector<16xi1>
        %get3A_578 = arith.index_cast %add3A_423 : i32 to index
        %get3A_579 = arith.constant 32 : index
        %get3A_580 = tpu.vector_load %arg11[%get3A_578, %get3A_579] {strides = array<i32>} : memref<16x64xi32, #tpu.memory_space<vmem>>, vector<16xi32>,
        %get3A_581 = arith.index_cast %add3A_423 : i32 to index
        %get3A_582 = arith.constant 32 : index
        %get3A_583 = tpu.vector_load %arg12[%get3A_581, %get3A_582] {strides = array<i32>} : memref<16x64xi32, #tpu.memory_space<vmem>>, vector<16xi32>,
        %gather3A_584 = tpu.vector_load_idx %arg9[%get3A_580] : memref<10000xf32, #tpu.memory_space<vmem>>[vector<16xi32>], vector<16xf32>,
        %gather3A_585 = tpu.vector_load_idx %arg10[%get3A_583] : memref<10016xf32, #tpu.memory_space<vmem>>[vector<16xi32>], vector<16xf32>,
        %add3A_586 = arith.addf %gather3A_584, %gather3A_585 : vector<16xf32>
        %ge3A_587 = arith.constant 0.000000e+00 : f32
        %ge3A_588 = vector.broadcast %ge3A_587 : f32 to vector<16xf32>
        %ge3A_589 = arith.cmpf oge, %add3A_586, %ge3A_588 : vector<16xf32>
        %mul3A_590 = arith.constant 2.000000e-01 : f32
        %mul3A_591 = vector.broadcast %mul3A_590 : f32 to vector<16xf32>
        %mul3A_592 = arith.mulf %mul3A_591, %add3A_586 : vector<16xf32>
        %select_n3A_593 = arith.select %ge3A_589, %add3A_586, %mul3A_592 : vector<16xi1>, vector<16xf32>
        %exp3A_594 = math.exp %select_n3A_593 : vector<16xf32>
        %mul3A_595 = arith.constant 64 : i32
        %mul3A_596 = arith.muli %add3A_423, %mul3A_595 : i32
        %add3A_597 = arith.constant 32 : i32
        %add3A_598 = arith.addi %mul3A_596, %add3A_597 : i32
        %swap3A_599 = arith.index_cast %add3A_598 : i32 to index
        %swap3A_600 = tpu.vector_load %arg13[%swap3A_599] {strides = array<i32>} : memref<1024xf32, #tpu.memory_space<vmem>>, vector<16xf32>,
        tpu.vector_store %arg13[%swap3A_599], %exp3A_594 {strides = array<i32>} : memref<1024xf32, #tpu.memory_space<vmem>>, vector<16xf32>,
        %masked_sort3A_601 = arith.constant dense<true> : vector<16xi1>
        %masked_sort3A_602 = arith.constant -2147483648 : i32
        %masked_sort3A_603 = vector.broadcast %masked_sort3A_602 : i32 to vector<16xi32>
        %masked_sort3A_604 = arith.xori %get3A_583, %masked_sort3A_603 : vector<16xi32>
        %masked_sort3A_605, %masked_sort3A_606, %masked_sort3A_607 = tpu.sort %masked_sort3A_604, %exp3A_594 masked %masked_sort3A_601 : (vector<16xi32>, vector<16xf32>, vector<16xi1>) -> (vector<16xi1>, vector<16xi32>, vector<16xf32>)
        %masked_sort3A_608 = arith.xori %masked_sort3A_606, %masked_sort3A_603 : vector<16xi32>
        %swap3A_609 = arith.constant 0 : index
        %swap3A_610 = tpu.vector_load %arg14[%swap3A_609] {strides = array<i32>} : memref<16xi32, #tpu.memory_space<vmem>>, vector<16xi32>,
        tpu.vector_store %arg14[%swap3A_609], %masked_sort3A_608 {strides = array<i32>} : memref<16xi32, #tpu.memory_space<vmem>>, vector<16xi32>,
        %sub3A_611 = arith.constant 1 : i32
        %sub3A_612 = vector.broadcast %sub3A_611 : i32 to vector<16xi32>
        %sub3A_613 = arith.subi %iota3A, %sub3A_612 : vector<16xi32>
        %max3A_614 = arith.constant 0 : i32
        %max3A_615 = vector.broadcast %max3A_614 : i32 to vector<16xi32>
        %max3A_616 = arith.maxsi %sub3A_613, %max3A_615 : vector<16xi32>
        %gather3A_617 = tpu.vector_load_idx %arg14[%max3A_616] : memref<16xi32, #tpu.memory_space<vmem>>[vector<16xi32>], vector<16xi32>,
        %add3A_618 = arith.constant 1 : i32
        %add3A_619 = vector.broadcast %add3A_618 : i32 to vector<16xi32>
        %add3A_620 = arith.addi %iota3A, %add3A_619 : vector<16xi32>
        %min3A_621 = arith.constant 15 : i32
        %min3A_622 = vector.broadcast %min3A_621 : i32 to vector<16xi32>
        %min3A_623 = arith.minsi %add3A_620, %min3A_622 : vector<16xi32>
        %gather3A_624 = tpu.vector_load_idx %arg14[%min3A_623] : memref<16xi32, #tpu.memory_space<vmem>>[vector<16xi32>], vector<16xi32>,
        %eq3A_625 = arith.constant 0 : i32
        %eq3A_626 = vector.broadcast %eq3A_625 : i32 to vector<16xi32>
        %eq3A_627 = arith.cmpi eq, %iota3A, %eq3A_626 : vector<16xi32>
        %ne3A_628 = arith.cmpi ne, %masked_sort3A_608, %gather3A_617 : vector<16xi32>
        %or3A_629 = arith.ori %eq3A_627, %ne3A_628 : vector<16xi1>
        %eq3A_630 = arith.constant 15 : i32
        %eq3A_631 = vector.broadcast %eq3A_630 : i32 to vector<16xi32>
        %eq3A_632 = arith.cmpi eq, %iota3A, %eq3A_631 : vector<16xi32>
        %ne3A_633 = arith.cmpi ne, %masked_sort3A_608, %gather3A_624 : vector<16xi32>
        %or3A_634 = arith.ori %eq3A_632, %ne3A_633 : vector<16xi1>
        %broadcast_in_dim3A_635 = arith.constant true
        %broadcast_in_dim3A_636 = vector.broadcast %broadcast_in_dim3A_635 : i1 to vector<16xi1>
        %masked_cumsum3A_637 = tpu.scan <sum>, %masked_sort3A_607 masked %broadcast_in_dim3A_636 : vector<16xf32>, vector<16xi1> -> vector<16xf32>
        %sub3A_638 = arith.subf %masked_cumsum3A_637, %masked_sort3A_607 : vector<16xf32>
        %jit3A_639 = arith.constant -3.000000e+38 : f32
        %broadcast_in_dim3A_640 = vector.broadcast %jit3A_639 : f32 to vector<16xf32>
        %select_n3A_641 = arith.select %or3A_629, %sub3A_638, %broadcast_in_dim3A_640 : vector<16xi1>, vector<16xf32>
        %broadcast_in_dim3A_642 = arith.constant true
        %broadcast_in_dim3A_643 = vector.broadcast %broadcast_in_dim3A_642 : i1 to vector<16xi1>
        %masked_cummax3A_644 = tpu.scan <max>, %select_n3A_641 masked %broadcast_in_dim3A_643 : vector<16xf32>, vector<16xi1> -> vector<16xf32>
        %shift_right_arithmetic3A_645 = arith.constant 4 : i32
        %shift_right_arithmetic3A_646 = vector.broadcast %shift_right_arithmetic3A_645 : i32 to vector<16xi32>
        %shift_right_arithmetic3A_647 = arith.shrsi %masked_sort3A_608, %shift_right_arithmetic3A_646 : vector<16xi32>
        %and3A_648 = arith.constant 15 : i32
        %and3A_649 = vector.broadcast %and3A_648 : i32 to vector<16xi32>
        %and3A_650 = arith.andi %masked_sort3A_608, %and3A_649 : vector<16xi32>
        %sub3A_651 = arith.subf %masked_cumsum3A_637, %masked_cummax3A_644 : vector<16xf32>
        tpu.vector_store_idx %arg15[%shift_right_arithmetic3A_647, %and3A_650], %sub3A_651 masked %or3A_634 {add = true} : memref<632x16xf32, #tpu.memory_space<vmem>>[vector<16xi32>, vector<16xi32>], vector<16xf32>, vector<16xi1>
        %get3A_652 = arith.index_cast %add3A_423 : i32 to index
        %get3A_653 = arith.constant 48 : index
        %get3A_654 = tpu.vector_load %arg11[%get3A_652, %get3A_653] {strides = array<i32>} : memref<16x64xi32, #tpu.memory_space<vmem>>, vector<16xi32>,
        %get3A_655 = arith.index_cast %add3A_423 : i32 to index
        %get3A_656 = arith.constant 48 : index
        %get3A_657 = tpu.vector_load %arg12[%get3A_655, %get3A_656] {strides = array<i32>} : memref<16x64xi32, #tpu.memory_space<vmem>>, vector<16xi32>,
        %gather3A_658 = tpu.vector_load_idx %arg9[%get3A_654] : memref<10000xf32, #tpu.memory_space<vmem>>[vector<16xi32>], vector<16xf32>,
        %gather3A_659 = tpu.vector_load_idx %arg10[%get3A_657] : memref<10016xf32, #tpu.memory_space<vmem>>[vector<16xi32>], vector<16xf32>,
        %add3A_660 = arith.addf %gather3A_658, %gather3A_659 : vector<16xf32>
        %ge3A_661 = arith.constant 0.000000e+00 : f32
        %ge3A_662 = vector.broadcast %ge3A_661 : f32 to vector<16xf32>
        %ge3A_663 = arith.cmpf oge, %add3A_660, %ge3A_662 : vector<16xf32>
        %mul3A_664 = arith.constant 2.000000e-01 : f32
        %mul3A_665 = vector.broadcast %mul3A_664 : f32 to vector<16xf32>
        %mul3A_666 = arith.mulf %mul3A_665, %add3A_660 : vector<16xf32>
        %select_n3A_667 = arith.select %ge3A_663, %add3A_660, %mul3A_666 : vector<16xi1>, vector<16xf32>
        %exp3A_668 = math.exp %select_n3A_667 : vector<16xf32>
        %mul3A_669 = arith.constant 64 : i32
        %mul3A_670 = arith.muli %add3A_423, %mul3A_669 : i32
        %add3A_671 = arith.constant 48 : i32
        %add3A_672 = arith.addi %mul3A_670, %add3A_671 : i32
        %swap3A_673 = arith.index_cast %add3A_672 : i32 to index
        %swap3A_674 = tpu.vector_load %arg13[%swap3A_673] {strides = array<i32>} : memref<1024xf32, #tpu.memory_space<vmem>>, vector<16xf32>,
        tpu.vector_store %arg13[%swap3A_673], %exp3A_668 {strides = array<i32>} : memref<1024xf32, #tpu.memory_space<vmem>>, vector<16xf32>,
        %masked_sort3A_675 = arith.constant dense<true> : vector<16xi1>
        %masked_sort3A_676 = arith.constant -2147483648 : i32
        %masked_sort3A_677 = vector.broadcast %masked_sort3A_676 : i32 to vector<16xi32>
        %masked_sort3A_678 = arith.xori %get3A_657, %masked_sort3A_677 : vector<16xi32>
        %masked_sort3A_679, %masked_sort3A_680, %masked_sort3A_681 = tpu.sort %masked_sort3A_678, %exp3A_668 masked %masked_sort3A_675 : (vector<16xi32>, vector<16xf32>, vector<16xi1>) -> (vector<16xi1>, vector<16xi32>, vector<16xf32>)
        %masked_sort3A_682 = arith.xori %masked_sort3A_680, %masked_sort3A_677 : vector<16xi32>
        %swap3A_683 = arith.constant 0 : index
        %swap3A_684 = tpu.vector_load %arg14[%swap3A_683] {strides = array<i32>} : memref<16xi32, #tpu.memory_space<vmem>>, vector<16xi32>,
        tpu.vector_store %arg14[%swap3A_683], %masked_sort3A_682 {strides = array<i32>} : memref<16xi32, #tpu.memory_space<vmem>>, vector<16xi32>,
        %sub3A_685 = arith.constant 1 : i32
        %sub3A_686 = vector.broadcast %sub3A_685 : i32 to vector<16xi32>
        %sub3A_687 = arith.subi %iota3A, %sub3A_686 : vector<16xi32>
        %max3A_688 = arith.constant 0 : i32
        %max3A_689 = vector.broadcast %max3A_688 : i32 to vector<16xi32>
        %max3A_690 = arith.maxsi %sub3A_687, %max3A_689 : vector<16xi32>
        %gather3A_691 = tpu.vector_load_idx %arg14[%max3A_690] : memref<16xi32, #tpu.memory_space<vmem>>[vector<16xi32>], vector<16xi32>,
        %add3A_692 = arith.constant 1 : i32
        %add3A_693 = vector.broadcast %add3A_692 : i32 to vector<16xi32>
        %add3A_694 = arith.addi %iota3A, %add3A_693 : vector<16xi32>
        %min3A_695 = arith.constant 15 : i32
        %min3A_696 = vector.broadcast %min3A_695 : i32 to vector<16xi32>
        %min3A_697 = arith.minsi %add3A_694, %min3A_696 : vector<16xi32>
        %gather3A_698 = tpu.vector_load_idx %arg14[%min3A_697] : memref<16xi32, #tpu.memory_space<vmem>>[vector<16xi32>], vector<16xi32>,
        %eq3A_699 = arith.constant 0 : i32
        %eq3A_700 = vector.broadcast %eq3A_699 : i32 to vector<16xi32>
        %eq3A_701 = arith.cmpi eq, %iota3A, %eq3A_700 : vector<16xi32>
        %ne3A_702 = arith.cmpi ne, %masked_sort3A_682, %gather3A_691 : vector<16xi32>
        %or3A_703 = arith.ori %eq3A_701, %ne3A_702 : vector<16xi1>
        %eq3A_704 = arith.constant 15 : i32
        %eq3A_705 = vector.broadcast %eq3A_704 : i32 to vector<16xi32>
        %eq3A_706 = arith.cmpi eq, %iota3A, %eq3A_705 : vector<16xi32>
        %ne3A_707 = arith.cmpi ne, %masked_sort3A_682, %gather3A_698 : vector<16xi32>
        %or3A_708 = arith.ori %eq3A_706, %ne3A_707 : vector<16xi1>
        %broadcast_in_dim3A_709 = arith.constant true
        %broadcast_in_dim3A_710 = vector.broadcast %broadcast_in_dim3A_709 : i1 to vector<16xi1>
        %masked_cumsum3A_711 = tpu.scan <sum>, %masked_sort3A_681 masked %broadcast_in_dim3A_710 : vector<16xf32>, vector<16xi1> -> vector<16xf32>
        %sub3A_712 = arith.subf %masked_cumsum3A_711, %masked_sort3A_681 : vector<16xf32>
        %jit3A_713 = arith.constant -3.000000e+38 : f32
        %broadcast_in_dim3A_714 = vector.broadcast %jit3A_713 : f32 to vector<16xf32>
        %select_n3A_715 = arith.select %or3A_703, %sub3A_712, %broadcast_in_dim3A_714 : vector<16xi1>, vector<16xf32>
        %broadcast_in_dim3A_716 = arith.constant true
        %broadcast_in_dim3A_717 = vector.broadcast %broadcast_in_dim3A_716 : i1 to vector<16xi1>
        %masked_cummax3A_718 = tpu.scan <max>, %select_n3A_715 masked %broadcast_in_dim3A_717 : vector<16xf32>, vector<16xi1> -> vector<16xf32>
        %shift_right_arithmetic3A_719 = arith.constant 4 : i32
        %shift_right_arithmetic3A_720 = vector.broadcast %shift_right_arithmetic3A_719 : i32 to vector<16xi32>
        %shift_right_arithmetic3A_721 = arith.shrsi %masked_sort3A_682, %shift_right_arithmetic3A_720 : vector<16xi32>
        %and3A_722 = arith.constant 15 : i32
        %and3A_723 = vector.broadcast %and3A_722 : i32 to vector<16xi32>
        %and3A_724 = arith.andi %masked_sort3A_682, %and3A_723 : vector<16xi32>
        %sub3A_725 = arith.subf %masked_cumsum3A_711, %masked_cummax3A_718 : vector<16xf32>
        tpu.vector_store_idx %arg15[%shift_right_arithmetic3A_721, %and3A_724], %sub3A_725 masked %or3A_708 {add = true} : memref<632x16xf32, #tpu.memory_space<vmem>>[vector<16xi32>, vector<16xi32>], vector<16xf32>, vector<16xi1>
        %mul3A_726 = arith.constant 64 : i32
        %mul3A_727 = arith.muli %add3A_423, %mul3A_726 : i32
        %scan3A_728 = arith.constant 0 : i32
        %scan3A_729 = arith.constant 32 : i32
        %scan3A_730 = arith.addi %scan3A_728, %scan3A_729 : i32
        %scan3A_731 = arith.constant 1 : i32
        scf.for %scan3A_739 = %scan3A_728 to %scan3A_730 step %scan3A_731  : i32 {
          %mul3A_740 = arith.constant 2 : i32
          %mul3A_741 = arith.muli %scan3A_739, %mul3A_740 : i32
          %add3A_742 = arith.addi %mul3A_727, %mul3A_741 : i32
          %broadcast_in_dim3A_743 = vector.broadcast %add3A_742 : i32 to vector<16xi32>
          %gather3A_744 = tpu.vector_load_idx %arg13[%broadcast_in_dim3A_743] : memref<1024xf32, #tpu.memory_space<vmem>>[vector<16xi32>], vector<16xf32>,
          %add3A_745 = arith.addi %mul3A_727, %mul3A_741 : i32
          %add3A_746 = arith.constant 1 : i32
          %add3A_747 = arith.addi %add3A_745, %add3A_746 : i32
          %broadcast_in_dim3A_748 = vector.broadcast %add3A_747 : i32 to vector<16xi32>
          %gather3A_749 = tpu.vector_load_idx %arg13[%broadcast_in_dim3A_748] : memref<1024xf32, #tpu.memory_space<vmem>>[vector<16xi32>], vector<16xf32>,
          %get3A_750 = arith.index_cast %mul3A_741 : i32 to index
          %get3A_751 = arith.constant 0 : index
          %get3A_752 = tpu.vector_load %arg17[%get3A_750, %get3A_751] {strides = array<i32>} : memref<64x128xf32, #tpu.memory_space<vmem>>, vector<16xf32>,
          %mul3A_753 = arith.mulf %get3A_752, %gather3A_744 : vector<16xf32>
          %swap3A_754 = arith.index_cast %mul3A_741 : i32 to index
          %swap3A_755 = arith.constant 0 : index
          %swap3A_756 = tpu.vector_load %arg17[%swap3A_754, %swap3A_755] {strides = array<i32>} : memref<64x128xf32, #tpu.memory_space<vmem>>, vector<16xf32>,
          tpu.vector_store %arg17[%swap3A_754, %swap3A_755], %mul3A_753 {strides = array<i32>} : memref<64x128xf32, #tpu.memory_space<vmem>>, vector<16xf32>,
          %get3A_757 = arith.index_cast %mul3A_741 : i32 to index
          %get3A_758 = arith.constant 16 : index
          %get3A_759 = tpu.vector_load %arg17[%get3A_757, %get3A_758] {strides = array<i32>} : memref<64x128xf32, #tpu.memory_space<vmem>>, vector<16xf32>,
          %mul3A_760 = arith.mulf %get3A_759, %gather3A_744 : vector<16xf32>
          %swap3A_761 = arith.index_cast %mul3A_741 : i32 to index
          %swap3A_762 = arith.constant 16 : index
          %swap3A_763 = tpu.vector_load %arg17[%swap3A_761, %swap3A_762] {strides = array<i32>} : memref<64x128xf32, #tpu.memory_space<vmem>>, vector<16xf32>,
          tpu.vector_store %arg17[%swap3A_761, %swap3A_762], %mul3A_760 {strides = array<i32>} : memref<64x128xf32, #tpu.memory_space<vmem>>, vector<16xf32>,
          %get3A_764 = arith.index_cast %mul3A_741 : i32 to index
          %get3A_765 = arith.constant 32 : index
          %get3A_766 = tpu.vector_load %arg17[%get3A_764, %get3A_765] {strides = array<i32>} : memref<64x128xf32, #tpu.memory_space<vmem>>, vector<16xf32>,
          %mul3A_767 = arith.mulf %get3A_766, %gather3A_744 : vector<16xf32>
          %swap3A_768 = arith.index_cast %mul3A_741 : i32 to index
          %swap3A_769 = arith.constant 32 : index
          %swap3A_770 = tpu.vector_load %arg17[%swap3A_768, %swap3A_769] {strides = array<i32>} : memref<64x128xf32, #tpu.memory_space<vmem>>, vector<16xf32>,
          tpu.vector_store %arg17[%swap3A_768, %swap3A_769], %mul3A_767 {strides = array<i32>} : memref<64x128xf32, #tpu.memory_space<vmem>>, vector<16xf32>,
          %get3A_771 = arith.index_cast %mul3A_741 : i32 to index
          %get3A_772 = arith.constant 48 : index
          %get3A_773 = tpu.vector_load %arg17[%get3A_771, %get3A_772] {strides = array<i32>} : memref<64x128xf32, #tpu.memory_space<vmem>>, vector<16xf32>,
          %mul3A_774 = arith.mulf %get3A_773, %gather3A_744 : vector<16xf32>
          %swap3A_775 = arith.index_cast %mul3A_741 : i32 to index
          %swap3A_776 = arith.constant 48 : index
          %swap3A_777 = tpu.vector_load %arg17[%swap3A_775, %swap3A_776] {strides = array<i32>} : memref<64x128xf32, #tpu.memory_space<vmem>>, vector<16xf32>,
          tpu.vector_store %arg17[%swap3A_775, %swap3A_776], %mul3A_774 {strides = array<i32>} : memref<64x128xf32, #tpu.memory_space<vmem>>, vector<16xf32>,
          %get3A_778 = arith.index_cast %mul3A_741 : i32 to index
          %get3A_779 = arith.constant 64 : index
          %get3A_780 = tpu.vector_load %arg17[%get3A_778, %get3A_779] {strides = array<i32>} : memref<64x128xf32, #tpu.memory_space<vmem>>, vector<16xf32>,
          %mul3A_781 = arith.mulf %get3A_780, %gather3A_744 : vector<16xf32>
          %swap3A_782 = arith.index_cast %mul3A_741 : i32 to index
          %swap3A_783 = arith.constant 64 : index
          %swap3A_784 = tpu.vector_load %arg17[%swap3A_782, %swap3A_783] {strides = array<i32>} : memref<64x128xf32, #tpu.memory_space<vmem>>, vector<16xf32>,
          tpu.vector_store %arg17[%swap3A_782, %swap3A_783], %mul3A_781 {strides = array<i32>} : memref<64x128xf32, #tpu.memory_space<vmem>>, vector<16xf32>,
          %get3A_785 = arith.index_cast %mul3A_741 : i32 to index
          %get3A_786 = arith.constant 80 : index
          %get3A_787 = tpu.vector_load %arg17[%get3A_785, %get3A_786] {strides = array<i32>} : memref<64x128xf32, #tpu.memory_space<vmem>>, vector<16xf32>,
          %mul3A_788 = arith.mulf %get3A_787, %gather3A_744 : vector<16xf32>
          %swap3A_789 = arith.index_cast %mul3A_741 : i32 to index
          %swap3A_790 = arith.constant 80 : index
          %swap3A_791 = tpu.vector_load %arg17[%swap3A_789, %swap3A_790] {strides = array<i32>} : memref<64x128xf32, #tpu.memory_space<vmem>>, vector<16xf32>,
          tpu.vector_store %arg17[%swap3A_789, %swap3A_790], %mul3A_788 {strides = array<i32>} : memref<64x128xf32, #tpu.memory_space<vmem>>, vector<16xf32>,
          %get3A_792 = arith.index_cast %mul3A_741 : i32 to index
          %get3A_793 = arith.constant 96 : index
          %get3A_794 = tpu.vector_load %arg17[%get3A_792, %get3A_793] {strides = array<i32>} : memref<64x128xf32, #tpu.memory_space<vmem>>, vector<16xf32>,
          %mul3A_795 = arith.mulf %get3A_794, %gather3A_744 : vector<16xf32>
          %swap3A_796 = arith.index_cast %mul3A_741 : i32 to index
          %swap3A_797 = arith.constant 96 : index
          %swap3A_798 = tpu.vector_load %arg17[%swap3A_796, %swap3A_797] {strides = array<i32>} : memref<64x128xf32, #tpu.memory_space<vmem>>, vector<16xf32>,
          tpu.vector_store %arg17[%swap3A_796, %swap3A_797], %mul3A_795 {strides = array<i32>} : memref<64x128xf32, #tpu.memory_space<vmem>>, vector<16xf32>,
          %get3A_799 = arith.index_cast %mul3A_741 : i32 to index
          %get3A_800 = arith.constant 112 : index
          %get3A_801 = tpu.vector_load %arg17[%get3A_799, %get3A_800] {strides = array<i32>} : memref<64x128xf32, #tpu.memory_space<vmem>>, vector<16xf32>,
          %mul3A_802 = arith.mulf %get3A_801, %gather3A_744 : vector<16xf32>
          %swap3A_803 = arith.index_cast %mul3A_741 : i32 to index
          %swap3A_804 = arith.constant 112 : index
          %swap3A_805 = tpu.vector_load %arg17[%swap3A_803, %swap3A_804] {strides = array<i32>} : memref<64x128xf32, #tpu.memory_space<vmem>>, vector<16xf32>,
          tpu.vector_store %arg17[%swap3A_803, %swap3A_804], %mul3A_802 {strides = array<i32>} : memref<64x128xf32, #tpu.memory_space<vmem>>, vector<16xf32>,
          %add3A_806 = arith.constant 1 : i32
          %add3A_807 = arith.addi %mul3A_741, %add3A_806 : i32
          %get3A_808 = arith.index_cast %add3A_807 : i32 to index
          %get3A_809 = arith.constant 0 : index
          %get3A_810 = tpu.vector_load %arg17[%get3A_808, %get3A_809] {strides = array<i32>} : memref<64x128xf32, #tpu.memory_space<vmem>>, vector<16xf32>,
          %mul3A_811 = arith.mulf %get3A_810, %gather3A_749 : vector<16xf32>
          %add3A_812 = arith.constant 1 : i32
          %add3A_813 = arith.addi %mul3A_741, %add3A_812 : i32
          %swap3A_814 = arith.index_cast %add3A_813 : i32 to index
          %swap3A_815 = arith.constant 0 : index
          %swap3A_816 = tpu.vector_load %arg17[%swap3A_814, %swap3A_815] {strides = array<i32>} : memref<64x128xf32, #tpu.memory_space<vmem>>, vector<16xf32>,
          tpu.vector_store %arg17[%swap3A_814, %swap3A_815], %mul3A_811 {strides = array<i32>} : memref<64x128xf32, #tpu.memory_space<vmem>>, vector<16xf32>,
          %add3A_817 = arith.constant 1 : i32
          %add3A_818 = arith.addi %mul3A_741, %add3A_817 : i32
          %get3A_819 = arith.index_cast %add3A_818 : i32 to index
          %get3A_820 = arith.constant 16 : index
          %get3A_821 = tpu.vector_load %arg17[%get3A_819, %get3A_820] {strides = array<i32>} : memref<64x128xf32, #tpu.memory_space<vmem>>, vector<16xf32>,
          %mul3A_822 = arith.mulf %get3A_821, %gather3A_749 : vector<16xf32>
          %add3A_823 = arith.constant 1 : i32
          %add3A_824 = arith.addi %mul3A_741, %add3A_823 : i32
          %swap3A_825 = arith.index_cast %add3A_824 : i32 to index
          %swap3A_826 = arith.constant 16 : index
          %swap3A_827 = tpu.vector_load %arg17[%swap3A_825, %swap3A_826] {strides = array<i32>} : memref<64x128xf32, #tpu.memory_space<vmem>>, vector<16xf32>,
          tpu.vector_store %arg17[%swap3A_825, %swap3A_826], %mul3A_822 {strides = array<i32>} : memref<64x128xf32, #tpu.memory_space<vmem>>, vector<16xf32>,
          %add3A_828 = arith.constant 1 : i32
          %add3A_829 = arith.addi %mul3A_741, %add3A_828 : i32
          %get3A_830 = arith.index_cast %add3A_829 : i32 to index
          %get3A_831 = arith.constant 32 : index
          %get3A_832 = tpu.vector_load %arg17[%get3A_830, %get3A_831] {strides = array<i32>} : memref<64x128xf32, #tpu.memory_space<vmem>>, vector<16xf32>,
          %mul3A_833 = arith.mulf %get3A_832, %gather3A_749 : vector<16xf32>
          %add3A_834 = arith.constant 1 : i32
          %add3A_835 = arith.addi %mul3A_741, %add3A_834 : i32
          %swap3A_836 = arith.index_cast %add3A_835 : i32 to index
          %swap3A_837 = arith.constant 32 : index
          %swap3A_838 = tpu.vector_load %arg17[%swap3A_836, %swap3A_837] {strides = array<i32>} : memref<64x128xf32, #tpu.memory_space<vmem>>, vector<16xf32>,
          tpu.vector_store %arg17[%swap3A_836, %swap3A_837], %mul3A_833 {strides = array<i32>} : memref<64x128xf32, #tpu.memory_space<vmem>>, vector<16xf32>,
          %add3A_839 = arith.constant 1 : i32
          %add3A_840 = arith.addi %mul3A_741, %add3A_839 : i32
          %get3A_841 = arith.index_cast %add3A_840 : i32 to index
          %get3A_842 = arith.constant 48 : index
          %get3A_843 = tpu.vector_load %arg17[%get3A_841, %get3A_842] {strides = array<i32>} : memref<64x128xf32, #tpu.memory_space<vmem>>, vector<16xf32>,
          %mul3A_844 = arith.mulf %get3A_843, %gather3A_749 : vector<16xf32>
          %add3A_845 = arith.constant 1 : i32
          %add3A_846 = arith.addi %mul3A_741, %add3A_845 : i32
          %swap3A_847 = arith.index_cast %add3A_846 : i32 to index
          %swap3A_848 = arith.constant 48 : index
          %swap3A_849 = tpu.vector_load %arg17[%swap3A_847, %swap3A_848] {strides = array<i32>} : memref<64x128xf32, #tpu.memory_space<vmem>>, vector<16xf32>,
          tpu.vector_store %arg17[%swap3A_847, %swap3A_848], %mul3A_844 {strides = array<i32>} : memref<64x128xf32, #tpu.memory_space<vmem>>, vector<16xf32>,
          %add3A_850 = arith.constant 1 : i32
          %add3A_851 = arith.addi %mul3A_741, %add3A_850 : i32
          %get3A_852 = arith.index_cast %add3A_851 : i32 to index
          %get3A_853 = arith.constant 64 : index
          %get3A_854 = tpu.vector_load %arg17[%get3A_852, %get3A_853] {strides = array<i32>} : memref<64x128xf32, #tpu.memory_space<vmem>>, vector<16xf32>,
          %mul3A_855 = arith.mulf %get3A_854, %gather3A_749 : vector<16xf32>
          %add3A_856 = arith.constant 1 : i32
          %add3A_857 = arith.addi %mul3A_741, %add3A_856 : i32
          %swap3A_858 = arith.index_cast %add3A_857 : i32 to index
          %swap3A_859 = arith.constant 64 : index
          %swap3A_860 = tpu.vector_load %arg17[%swap3A_858, %swap3A_859] {strides = array<i32>} : memref<64x128xf32, #tpu.memory_space<vmem>>, vector<16xf32>,
          tpu.vector_store %arg17[%swap3A_858, %swap3A_859], %mul3A_855 {strides = array<i32>} : memref<64x128xf32, #tpu.memory_space<vmem>>, vector<16xf32>,
          %add3A_861 = arith.constant 1 : i32
          %add3A_862 = arith.addi %mul3A_741, %add3A_861 : i32
          %get3A_863 = arith.index_cast %add3A_862 : i32 to index
          %get3A_864 = arith.constant 80 : index
          %get3A_865 = tpu.vector_load %arg17[%get3A_863, %get3A_864] {strides = array<i32>} : memref<64x128xf32, #tpu.memory_space<vmem>>, vector<16xf32>,
          %mul3A_866 = arith.mulf %get3A_865, %gather3A_749 : vector<16xf32>
          %add3A_867 = arith.constant 1 : i32
          %add3A_868 = arith.addi %mul3A_741, %add3A_867 : i32
          %swap3A_869 = arith.index_cast %add3A_868 : i32 to index
          %swap3A_870 = arith.constant 80 : index
          %swap3A_871 = tpu.vector_load %arg17[%swap3A_869, %swap3A_870] {strides = array<i32>} : memref<64x128xf32, #tpu.memory_space<vmem>>, vector<16xf32>,
          tpu.vector_store %arg17[%swap3A_869, %swap3A_870], %mul3A_866 {strides = array<i32>} : memref<64x128xf32, #tpu.memory_space<vmem>>, vector<16xf32>,
          %add3A_872 = arith.constant 1 : i32
          %add3A_873 = arith.addi %mul3A_741, %add3A_872 : i32
          %get3A_874 = arith.index_cast %add3A_873 : i32 to index
          %get3A_875 = arith.constant 96 : index
          %get3A_876 = tpu.vector_load %arg17[%get3A_874, %get3A_875] {strides = array<i32>} : memref<64x128xf32, #tpu.memory_space<vmem>>, vector<16xf32>,
          %mul3A_877 = arith.mulf %get3A_876, %gather3A_749 : vector<16xf32>
          %add3A_878 = arith.constant 1 : i32
          %add3A_879 = arith.addi %mul3A_741, %add3A_878 : i32
          %swap3A_880 = arith.index_cast %add3A_879 : i32 to index
          %swap3A_881 = arith.constant 96 : index
          %swap3A_882 = tpu.vector_load %arg17[%swap3A_880, %swap3A_881] {strides = array<i32>} : memref<64x128xf32, #tpu.memory_space<vmem>>, vector<16xf32>,
          tpu.vector_store %arg17[%swap3A_880, %swap3A_881], %mul3A_877 {strides = array<i32>} : memref<64x128xf32, #tpu.memory_space<vmem>>, vector<16xf32>,
          %add3A_883 = arith.constant 1 : i32
          %add3A_884 = arith.addi %mul3A_741, %add3A_883 : i32
          %get3A_885 = arith.index_cast %add3A_884 : i32 to index
          %get3A_886 = arith.constant 112 : index
          %get3A_887 = tpu.vector_load %arg17[%get3A_885, %get3A_886] {strides = array<i32>} : memref<64x128xf32, #tpu.memory_space<vmem>>, vector<16xf32>,
          %mul3A_888 = arith.mulf %get3A_887, %gather3A_749 : vector<16xf32>
          %add3A_889 = arith.constant 1 : i32
          %add3A_890 = arith.addi %mul3A_741, %add3A_889 : i32
          %swap3A_891 = arith.index_cast %add3A_890 : i32 to index
          %swap3A_892 = arith.constant 112 : index
          %swap3A_893 = tpu.vector_load %arg17[%swap3A_891, %swap3A_892] {strides = array<i32>} : memref<64x128xf32, #tpu.memory_space<vmem>>, vector<16xf32>,
          tpu.vector_store %arg17[%swap3A_891, %swap3A_892], %mul3A_888 {strides = array<i32>} : memref<64x128xf32, #tpu.memory_space<vmem>>, vector<16xf32>,
        }
        %scan3A_732 = arith.constant 32 : i32
        %dma_start3A_733 = arith.constant 0 : i32
        %dma_start3A_734 = tpu.memref_slice %arg12[%add3A_423, %dma_start3A_733] : memref<16x64xi32, #tpu.memory_space<vmem>> -> memref<1x64xi32, #tpu.memory_space<vmem>>
        %dma_start3A_735 = tpu.memref_squeeze %dma_start3A_734 : memref<1x64xi32, #tpu.memory_space<vmem>> -> memref<64xi32, #tpu.memory_space<vmem>>
        %dma_start3A_736 = arith.constant 0 : i32
        %dma_start3A_737 = arith.constant 0 : i32
        %dma_start3A_738 = tpu.memref_slice %arg22[%dma_start3A_736, %dma_start3A_737] : memref<10112x128xf32, #tpu.memory_space<vmem_shared>> -> memref<10112x128xf32, #tpu.memory_space<vmem_shared>>
        tpu.enqueue_indirect_dma source(%arg17 : memref<64x128xf32, #tpu.memory_space<vmem>>) target(%dma_start3A_738 : memref<10112x128xf32, #tpu.memory_space<vmem_shared>>) offsets(%dma_start3A_735 : memref<64xi32, #tpu.memory_space<vmem>>) semaphore(%arg21 : memref<!tpu.dma_semaphore, #tpu.memory_space<semaphore_mem>>) {add = true}
      }
      %scan3A_88 = arith.constant 8 : i32
      %dma_wait3A = arith.constant 0 : i32
      %dma_wait3A_89 = arith.constant 0 : i32
      %dma_wait3A_90 = tpu.memref_slice %arg12[%dma_wait3A, %dma_wait3A_89] : memref<16x64xi32, #tpu.memory_space<vmem>> -> memref<1x64xi32, #tpu.memory_space<vmem>>
      %dma_wait3A_91 = tpu.memref_squeeze %dma_wait3A_90 : memref<1x64xi32, #tpu.memory_space<vmem>> -> memref<64xi32, #tpu.memory_space<vmem>>
      %dma_wait3A_92 = arith.constant 0 : i32
      %dma_wait3A_93 = arith.constant 0 : i32
      %dma_wait3A_94 = tpu.memref_slice %arg22[%dma_wait3A_92, %dma_wait3A_93] : memref<10112x128xf32, #tpu.memory_space<vmem_shared>> -> memref<10112x128xf32, #tpu.memory_space<vmem_shared>>
      tpu.wait_indirect_dma semaphore(%arg21 : memref<!tpu.dma_semaphore, #tpu.memory_space<semaphore_mem>>) src(%arg17 : memref<64x128xf32, #tpu.memory_space<vmem>>) dst(%dma_wait3A_94 : memref<10112x128xf32, #tpu.memory_space<vmem_shared>>)
    }
    %scan3A_68 = arith.constant 10 : i32
    "tpu.region"() ({
      %run_scoped3A = tpu.sem_alloc : memref<!tpu.dma_semaphore, #tpu.memory_space<semaphore_mem>>
      %dma_start3A = arith.constant 0 : i32
      %dma_start3A_74 = arith.constant 0 : i32
      %dma_start3A_75 = tpu.memref_slice %arg8[%arg0, %arg1, %dma_start3A, %dma_start3A_74] : memref<2x16x632x16xf32, #tpu.memory_space<hbm>> -> memref<1x1x632x16xf32, #tpu.memory_space<hbm>>
      %dma_start3A_76 = tpu.memref_squeeze %dma_start3A_75 : memref<1x1x632x16xf32, #tpu.memory_space<hbm>> -> memref<632x16xf32, #tpu.memory_space<hbm>>
      %dma_start3A_77 = arith.constant 0 : i32
      %dma_start3A_78 = arith.constant 0 : i32
      %dma_start3A_79 = tpu.memref_slice %arg8[%arg0, %arg1, %dma_start3A_77, %dma_start3A_78] : memref<2x16x632x16xf32, #tpu.memory_space<hbm>> -> memref<1x1x632x16xf32, #tpu.memory_space<hbm>>
      %dma_start3A_80 = tpu.memref_squeeze %dma_start3A_79 : memref<1x1x632x16xf32, #tpu.memory_space<hbm>> -> memref<632x16xf32, #tpu.memory_space<hbm>>
      tpu.enqueue_dma source(%arg15 : memref<632x16xf32, #tpu.memory_space<vmem>>) target(%dma_start3A_80 : memref<632x16xf32, #tpu.memory_space<hbm>>) target_semaphore(%run_scoped3A : memref<!tpu.dma_semaphore, #tpu.memory_space<semaphore_mem>>)
      %dma_wait3A = arith.constant 0 : i32
      %dma_wait3A_81 = arith.constant 0 : i32
      %dma_wait3A_82 = tpu.memref_slice %arg8[%arg0, %arg1, %dma_wait3A, %dma_wait3A_81] : memref<2x16x632x16xf32, #tpu.memory_space<hbm>> -> memref<1x1x632x16xf32, #tpu.memory_space<hbm>>
      %dma_wait3A_83 = tpu.memref_squeeze %dma_wait3A_82 : memref<1x1x632x16xf32, #tpu.memory_space<hbm>> -> memref<632x16xf32, #tpu.memory_space<hbm>>
      %dma_wait3A_84 = arith.constant 0 : i32
      %dma_wait3A_85 = arith.constant 0 : i32
      %dma_wait3A_86 = tpu.memref_slice %arg8[%arg0, %arg1, %dma_wait3A_84, %dma_wait3A_85] : memref<2x16x632x16xf32, #tpu.memory_space<hbm>> -> memref<1x1x632x16xf32, #tpu.memory_space<hbm>>
      %dma_wait3A_87 = tpu.memref_squeeze %dma_wait3A_86 : memref<1x1x632x16xf32, #tpu.memory_space<hbm>> -> memref<632x16xf32, #tpu.memory_space<hbm>>
      tpu.wait_dma2 semaphore(%run_scoped3A : memref<!tpu.dma_semaphore, #tpu.memory_space<semaphore_mem>>) src(%arg15 : memref<632x16xf32, #tpu.memory_space<vmem>>) dst(%dma_wait3A_87 : memref<632x16xf32, #tpu.memory_space<hbm>>)
      tpu.yield
    }) : () -> ()
    %barrier3A_69 = arith.constant 0 : index
    tpu.barrier barrier_id(%barrier3A_69)
    %mul3A_70 = arith.constant 632 : i32
    %mul3A_71 = arith.muli %arg1, %mul3A_70 : i32
    %mul3A_72 = arith.constant 632 : i32
    %mul3A_73 = arith.muli %arg1, %mul3A_72 : i32
    "tpu.region"() ({
      %run_scoped3A = tpu.sem_alloc : memref<!tpu.dma_semaphore, #tpu.memory_space<semaphore_mem>>
      %dma_start3A = arith.constant 0 : i32
      %dma_start3A_74 = tpu.memref_slice %arg7[%arg0, %mul3A_73, %dma_start3A] : memref<2x10112x128xf32, #tpu.memory_space<hbm>> -> memref<1x632x128xf32, #tpu.memory_space<hbm>>
      %dma_start3A_75 = tpu.memref_squeeze %dma_start3A_74 : memref<1x632x128xf32, #tpu.memory_space<hbm>> -> memref<632x128xf32, #tpu.memory_space<hbm>>
      %dma_start3A_76 = arith.constant 0 : i32
      %dma_start3A_77 = tpu.memref_slice %arg22[%mul3A_71, %dma_start3A_76] : memref<10112x128xf32, #tpu.memory_space<vmem_shared>> -> memref<632x128xf32, #tpu.memory_space<vmem_shared>>
      tpu.enqueue_dma source(%dma_start3A_77 : memref<632x128xf32, #tpu.memory_space<vmem_shared>>) target(%dma_start3A_75 : memref<632x128xf32, #tpu.memory_space<hbm>>) target_semaphore(%run_scoped3A : memref<!tpu.dma_semaphore, #tpu.memory_space<semaphore_mem>>)
      %dma_wait3A = arith.constant 0 : i32
      %dma_wait3A_78 = tpu.memref_slice %arg7[%arg0, %mul3A_73, %dma_wait3A] : memref<2x10112x128xf32, #tpu.memory_space<hbm>> -> memref<1x632x128xf32, #tpu.memory_space<hbm>>
      %dma_wait3A_79 = tpu.memref_squeeze %dma_wait3A_78 : memref<1x632x128xf32, #tpu.memory_space<hbm>> -> memref<632x128xf32, #tpu.memory_space<hbm>>
      %dma_wait3A_80 = arith.constant 0 : i32
      %dma_wait3A_81 = tpu.memref_slice %arg22[%mul3A_71, %dma_wait3A_80] : memref<10112x128xf32, #tpu.memory_space<vmem_shared>> -> memref<632x128xf32, #tpu.memory_space<vmem_shared>>
      tpu.wait_dma2 semaphore(%run_scoped3A : memref<!tpu.dma_semaphore, #tpu.memory_space<semaphore_mem>>) src(%dma_wait3A_81 : memref<632x128xf32, #tpu.memory_space<vmem_shared>>) dst(%dma_wait3A_79 : memref<632x128xf32, #tpu.memory_space<hbm>>)
      tpu.yield
    }) : () -> ()
    return
  }
}

module attributes {stable_mosaic.version = 14 : i64} {
  func.func @_dense_body(%arg0: i32, %arg1: memref<1024x128xf32, #tpu.memory_space<vmem>>, %arg2: memref<128x128xf32, #tpu.memory_space<vmem>>, %arg3: memref<1x128xf32, #tpu.memory_space<vmem>>, %arg4: memref<128x128xf32, #tpu.memory_space<vmem>>, %arg5: memref<128x128xf32, #tpu.memory_space<vmem>>, %arg6: memref<2x128xf32, #tpu.memory_space<vmem>>, %arg7: memref<2x128xf32, #tpu.memory_space<vmem>>, %arg8: memref<2x1024x128xf32, #tpu.memory_space<vmem>>, %arg9: memref<4x10240xf32, #tpu.memory_space<vmem>>) attributes {dimension_semantics = [#tpu.dimension_semantics<arbitrary>], iteration_bounds = array<i64: 10>, scalar_prefetch = 0 : i64, scratch_operands = 0 : i64, tpu.core_type = #tpu.core_type<tc>, window_params = [{transform_indices = @transform_0, window_bounds = array<i64: 1024, 128>}, {pipeline_mode = #tpu.pipeline_mode<synchronous>, transform_indices = @transform_1, window_bounds = array<i64: 128, 128>}, {pipeline_mode = #tpu.pipeline_mode<synchronous>, transform_indices = @transform_2, window_bounds = array<i64: 1, 128>}, {pipeline_mode = #tpu.pipeline_mode<synchronous>, transform_indices = @transform_3, window_bounds = array<i64: 128, 128>}, {pipeline_mode = #tpu.pipeline_mode<synchronous>, transform_indices = @transform_4, window_bounds = array<i64: 128, 128>}, {pipeline_mode = #tpu.pipeline_mode<synchronous>, transform_indices = @transform_5, window_bounds = array<i64: 2, 128>}, {pipeline_mode = #tpu.pipeline_mode<synchronous>, transform_indices = @transform_6, window_bounds = array<i64: 2, 128>}, {transform_indices = @transform_7, window_bounds = array<i64: 2, 1024, 128>}, {pipeline_mode = #tpu.pipeline_mode<synchronous>, transform_indices = @transform_8, window_bounds = array<i64: 4, 10240>}]} {
    %get3A = arith.constant 0 : index
    %get3A_0 = arith.constant 0 : index
    %get3A_1 = vector.load %arg1[%get3A, %get3A_0] : memref<1024x128xf32, #tpu.memory_space<vmem>>, vector<1024x128xf32>
    %get3A_2 = arith.constant 0 : index
    %get3A_3 = arith.constant 0 : index
    %get3A_4 = vector.load %arg2[%get3A_2, %get3A_3] : memref<128x128xf32, #tpu.memory_space<vmem>>, vector<128x128xf32>
    %dot_general3A = arith.constant dense<0.000000e+00> : vector<1024x128xf32>
    %dot_general3A_5 = tpu.matmul %get3A_1, %get3A_4, %dot_general3A {dimension_numbers = #tpu.dot_dimension_numbers<[1], [0], [0], [1], [0, 0, 1, 1], [], []>, transpose_lhs_hint = false} : vector<1024x128xf32>, vector<128x128xf32>, vector<1024x128xf32> -> vector<1024x128xf32>
    %get3A_6 = arith.constant 0 : index
    %get3A_7 = arith.constant 0 : index
    %get3A_8 = vector.load %arg3[%get3A_6, %get3A_7] : memref<1x128xf32, #tpu.memory_space<vmem>>, vector<1x128xf32>
    %add3A = vector.broadcast %get3A_8 : vector<1x128xf32> to vector<1024x128xf32>
    %add3A_9 = arith.addf %dot_general3A_5, %add3A : vector<1024x128xf32>
    %get3A_10 = arith.constant 0 : index
    %get3A_11 = arith.constant 0 : index
    %get3A_12 = vector.load %arg4[%get3A_10, %get3A_11] : memref<128x128xf32, #tpu.memory_space<vmem>>, vector<128x128xf32>
    %dot_general3A_13 = arith.constant dense<0.000000e+00> : vector<1024x128xf32>
    %dot_general3A_14 = tpu.matmul %add3A_9, %get3A_12, %dot_general3A_13 {dimension_numbers = #tpu.dot_dimension_numbers<[1], [0], [0], [1], [0, 0, 1, 1], [], []>, transpose_lhs_hint = false} : vector<1024x128xf32>, vector<128x128xf32>, vector<1024x128xf32> -> vector<1024x128xf32>
    %get3A_15 = arith.constant 0 : index
    %get3A_16 = arith.constant 0 : index
    %get3A_17 = vector.load %arg5[%get3A_15, %get3A_16] : memref<128x128xf32, #tpu.memory_space<vmem>>, vector<128x128xf32>
    %dot_general3A_18 = arith.constant dense<0.000000e+00> : vector<1024x128xf32>
    %dot_general3A_19 = tpu.matmul %add3A_9, %get3A_17, %dot_general3A_18 {dimension_numbers = #tpu.dot_dimension_numbers<[1], [0], [0], [1], [0, 0, 1, 1], [], []>, transpose_lhs_hint = false} : vector<1024x128xf32>, vector<128x128xf32>, vector<1024x128xf32> -> vector<1024x128xf32>
    %swap3A = arith.constant 0 : index
    %swap3A_20 = arith.constant 0 : index
    %swap3A_21 = arith.constant 0 : index
    %swap3A_22 = vector.load %arg8[%swap3A, %swap3A_20, %swap3A_21] : memref<2x1024x128xf32, #tpu.memory_space<vmem>>, vector<1x1024x128xf32>
    %swap3A_23 = vector.shape_cast %swap3A_22 : vector<1x1024x128xf32> to vector<1024x128xf32>
    %swap3A_24 = vector.shape_cast %dot_general3A_14 : vector<1024x128xf32> to vector<1x1024x128xf32>
    tpu.vector_store %arg8[%swap3A, %swap3A_20, %swap3A_21], %swap3A_24 {strides = array<i32>} : memref<2x1024x128xf32, #tpu.memory_space<vmem>>, vector<1x1024x128xf32>,
    %swap3A_25 = arith.constant 1 : index
    %swap3A_26 = arith.constant 0 : index
    %swap3A_27 = arith.constant 0 : index
    %swap3A_28 = vector.load %arg8[%swap3A_25, %swap3A_26, %swap3A_27] : memref<2x1024x128xf32, #tpu.memory_space<vmem>>, vector<1x1024x128xf32>
    %swap3A_29 = vector.shape_cast %swap3A_28 : vector<1x1024x128xf32> to vector<1024x128xf32>
    %swap3A_30 = vector.shape_cast %dot_general3A_19 : vector<1024x128xf32> to vector<1x1024x128xf32>
    tpu.vector_store %arg8[%swap3A_25, %swap3A_26, %swap3A_27], %swap3A_30 {strides = array<i32>} : memref<2x1024x128xf32, #tpu.memory_space<vmem>>, vector<1x1024x128xf32>,
    %get3A_31 = arith.constant 0 : index
    %get3A_32 = arith.constant 0 : index
    %get3A_33 = vector.load %arg6[%get3A_31, %get3A_32] : memref<2x128xf32, #tpu.memory_space<vmem>>, vector<2x128xf32>
    %dot_general3A_34 = arith.constant dense<0.000000e+00> : vector<2x1024xf32>
    %dot_general3A_35 = tpu.matmul %get3A_33, %dot_general3A_14, %dot_general3A_34 {dimension_numbers = #tpu.dot_dimension_numbers<[1], [1], [0], [0], [0, 0, 1, 0], [], []>, transpose_lhs_hint = false} : vector<2x128xf32>, vector<1024x128xf32>, vector<2x1024xf32> -> vector<2x1024xf32>
    %get3A_36 = arith.constant 0 : index
    %get3A_37 = arith.constant 0 : index
    %get3A_38 = vector.load %arg7[%get3A_36, %get3A_37] : memref<2x128xf32, #tpu.memory_space<vmem>>, vector<2x128xf32>
    %dot_general3A_39 = arith.constant dense<0.000000e+00> : vector<2x1024xf32>
    %dot_general3A_40 = tpu.matmul %get3A_38, %dot_general3A_19, %dot_general3A_39 {dimension_numbers = #tpu.dot_dimension_numbers<[1], [1], [0], [0], [0, 0, 1, 0], [], []>, transpose_lhs_hint = false} : vector<2x128xf32>, vector<1024x128xf32>, vector<2x1024xf32> -> vector<2x1024xf32>
    %mul3A = arith.constant 1024 : i32
    %mul3A_41 = arith.muli %arg0, %mul3A : i32
    %swap3A_42 = arith.constant 0 : index
    %swap3A_43 = arith.index_cast %mul3A_41 : i32 to index
    %swap3A_44 = vector.load %arg9[%swap3A_42, %swap3A_43] : memref<4x10240xf32, #tpu.memory_space<vmem>>, vector<2x1024xf32>
    tpu.vector_store %arg9[%swap3A_42, %swap3A_43], %dot_general3A_35 {strides = array<i32>} : memref<4x10240xf32, #tpu.memory_space<vmem>>, vector<2x1024xf32>,
    %mul3A_45 = arith.constant 1024 : i32
    %mul3A_46 = arith.muli %arg0, %mul3A_45 : i32
    %swap3A_47 = arith.constant 2 : index
    %swap3A_48 = arith.index_cast %mul3A_46 : i32 to index
    %swap3A_49 = vector.load %arg9[%swap3A_47, %swap3A_48] : memref<4x10240xf32, #tpu.memory_space<vmem>>, vector<2x1024xf32>
    tpu.vector_store %arg9[%swap3A_47, %swap3A_48], %dot_general3A_40 {strides = array<i32>} : memref<4x10240xf32, #tpu.memory_space<vmem>>, vector<2x1024xf32>,
    return
  }
  func.func @transform_0(%arg0: i32) -> (i32, i32) {
    %c0_i32 = arith.constant 0 : i32
    %c0_i32_0 = arith.constant 0 : i32
    return %arg0, %c0_i32 : i32, i32
  }
  func.func @transform_1(%arg0: i32) -> (i32, i32) {
    %c0_i32 = arith.constant 0 : i32
    %c0_i32_0 = arith.constant 0 : i32
    %c0_i32_1 = arith.constant 0 : i32
    return %c0_i32, %c0_i32_0 : i32, i32
  }
  func.func @transform_2(%arg0: i32) -> (i32, i32) {
    %c0_i32 = arith.constant 0 : i32
    %c0_i32_0 = arith.constant 0 : i32
    %c0_i32_1 = arith.constant 0 : i32
    return %c0_i32, %c0_i32_0 : i32, i32
  }
  func.func @transform_3(%arg0: i32) -> (i32, i32) {
    %c0_i32 = arith.constant 0 : i32
    %c0_i32_0 = arith.constant 0 : i32
    %c0_i32_1 = arith.constant 0 : i32
    return %c0_i32, %c0_i32_0 : i32, i32
  }
  func.func @transform_4(%arg0: i32) -> (i32, i32) {
    %c0_i32 = arith.constant 0 : i32
    %c0_i32_0 = arith.constant 0 : i32
    %c0_i32_1 = arith.constant 0 : i32
    return %c0_i32, %c0_i32_0 : i32, i32
  }
  func.func @transform_5(%arg0: i32) -> (i32, i32) {
    %c0_i32 = arith.constant 0 : i32
    %c0_i32_0 = arith.constant 0 : i32
    %c0_i32_1 = arith.constant 0 : i32
    return %c0_i32, %c0_i32_0 : i32, i32
  }
  func.func @transform_6(%arg0: i32) -> (i32, i32) {
    %c0_i32 = arith.constant 0 : i32
    %c0_i32_0 = arith.constant 0 : i32
    %c0_i32_1 = arith.constant 0 : i32
    return %c0_i32, %c0_i32_0 : i32, i32
  }
  func.func @transform_7(%arg0: i32) -> (i32, i32, i32) {
    %c0_i32 = arith.constant 0 : i32
    %c0_i32_0 = arith.constant 0 : i32
    %c0_i32_1 = arith.constant 0 : i32
    return %c0_i32, %arg0, %c0_i32_0 : i32, i32, i32
  }
  func.func @transform_8(%arg0: i32) -> (i32, i32) {
    %c0_i32 = arith.constant 0 : i32
    %c0_i32_0 = arith.constant 0 : i32
    %c0_i32_1 = arith.constant 0 : i32
    return %c0_i32, %c0_i32_0 : i32, i32
  }
}

module attributes {stable_mosaic.version = 14 : i64} {
  func.func @_combine_body(%arg0: i32, %arg1: memref<2x1024x128xf32, #tpu.memory_space<vmem>>, %arg2: memref<2x16x1024xf32, #tpu.memory_space<vmem>>, %arg3: memref<1024x128xf32, #tpu.memory_space<vmem>>) attributes {dimension_semantics = [#tpu.dimension_semantics<arbitrary>], iteration_bounds = array<i64: 10>, scalar_prefetch = 0 : i64, scratch_operands = 0 : i64, tpu.core_type = #tpu.core_type<tc>, window_params = [{transform_indices = @transform_0, window_bounds = array<i64: 2, 1024, 128>}, {transform_indices = @transform_1, window_bounds = array<i64: 2, 16, 1024>}, {transform_indices = @transform_2, window_bounds = array<i64: 1024, 128>}]} {
    %get3A = arith.constant 0 : index
    %get3A_0 = arith.constant 0 : index
    %get3A_1 = arith.constant 0 : index
    %get3A_2 = vector.load %arg2[%get3A, %get3A_0, %get3A_1] : memref<2x16x1024xf32, #tpu.memory_space<vmem>>, vector<1x16x1024xf32>
    %get3A_3 = vector.shape_cast %get3A_2 : vector<1x16x1024xf32> to vector<16x1024xf32>
    %reduce_sum3A = arith.constant dense<0.000000e+00> : vector<1024xf32>
    %reduce_sum3A_4 = vector.multi_reduction <add>, %get3A_3, %reduce_sum3A [0] : vector<16x1024xf32> to vector<1024xf32>
    %get3A_5 = arith.constant 1 : index
    %get3A_6 = arith.constant 0 : index
    %get3A_7 = arith.constant 0 : index
    %get3A_8 = vector.load %arg2[%get3A_5, %get3A_6, %get3A_7] : memref<2x16x1024xf32, #tpu.memory_space<vmem>>, vector<1x16x1024xf32>
    %get3A_9 = vector.shape_cast %get3A_8 : vector<1x16x1024xf32> to vector<16x1024xf32>
    %reduce_sum3A_10 = arith.constant dense<0.000000e+00> : vector<1024xf32>
    %reduce_sum3A_11 = vector.multi_reduction <add>, %get3A_9, %reduce_sum3A_10 [0] : vector<16x1024xf32> to vector<1024xf32>
    %get3A_12 = arith.constant 0 : index
    %get3A_13 = arith.constant 0 : index
    %get3A_14 = arith.constant 0 : index
    %get3A_15 = vector.load %arg1[%get3A_12, %get3A_13, %get3A_14] : memref<2x1024x128xf32, #tpu.memory_space<vmem>>, vector<1x1024x128xf32>
    %get3A_16 = vector.shape_cast %get3A_15 : vector<1x1024x128xf32> to vector<1024x128xf32>
    %broadcast_in_dim3A = vector.shape_cast %reduce_sum3A_4 : vector<1024xf32> to vector<1024x1xf32>
    %add3A = arith.constant 9.99999971E-10 : f32
    %add3A_17 = vector.broadcast %add3A : f32 to vector<1024x1xf32>
    %add3A_18 = arith.addf %broadcast_in_dim3A, %add3A_17 : vector<1024x1xf32>
    %div3A = vector.broadcast %add3A_18 : vector<1024x1xf32> to vector<1024x128xf32>
    %div3A_19 = arith.divf %get3A_16, %div3A : vector<1024x128xf32>
    %get3A_20 = arith.constant 1 : index
    %get3A_21 = arith.constant 0 : index
    %get3A_22 = arith.constant 0 : index
    %get3A_23 = vector.load %arg1[%get3A_20, %get3A_21, %get3A_22] : memref<2x1024x128xf32, #tpu.memory_space<vmem>>, vector<1x1024x128xf32>
    %get3A_24 = vector.shape_cast %get3A_23 : vector<1x1024x128xf32> to vector<1024x128xf32>
    %broadcast_in_dim3A_25 = vector.shape_cast %reduce_sum3A_11 : vector<1024xf32> to vector<1024x1xf32>
    %add3A_26 = arith.constant 9.99999971E-10 : f32
    %add3A_27 = vector.broadcast %add3A_26 : f32 to vector<1024x1xf32>
    %add3A_28 = arith.addf %broadcast_in_dim3A_25, %add3A_27 : vector<1024x1xf32>
    %div3A_29 = vector.broadcast %add3A_28 : vector<1024x1xf32> to vector<1024x128xf32>
    %div3A_30 = arith.divf %get3A_24, %div3A_29 : vector<1024x128xf32>
    %add3A_31 = arith.addf %div3A_19, %div3A_30 : vector<1024x128xf32>
    %max3A = arith.constant 0.000000e+00 : f32
    %max3A_32 = vector.broadcast %max3A : f32 to vector<1024x128xf32>
    %max3A_33 = arith.maximumf %add3A_31, %max3A_32 : vector<1024x128xf32>
    %swap3A = arith.constant 0 : index
    %swap3A_34 = arith.constant 0 : index
    %swap3A_35 = vector.load %arg3[%swap3A, %swap3A_34] : memref<1024x128xf32, #tpu.memory_space<vmem>>, vector<1024x128xf32>
    tpu.vector_store %arg3[%swap3A, %swap3A_34], %max3A_33 {strides = array<i32>} : memref<1024x128xf32, #tpu.memory_space<vmem>>, vector<1024x128xf32>,
    return
  }
  func.func @transform_0(%arg0: i32) -> (i32, i32, i32) {
    %c0_i32 = arith.constant 0 : i32
    %c0_i32_0 = arith.constant 0 : i32
    %c0_i32_1 = arith.constant 0 : i32
    return %c0_i32, %arg0, %c0_i32_0 : i32, i32, i32
  }
  func.func @transform_1(%arg0: i32) -> (i32, i32, i32) {
    %c0_i32 = arith.constant 0 : i32
    %c0_i32_0 = arith.constant 0 : i32
    %c0_i32_1 = arith.constant 0 : i32
    return %c0_i32, %c0_i32_0, %arg0 : i32, i32, i32
  }
  func.func @transform_2(%arg0: i32) -> (i32, i32) {
    %c0_i32 = arith.constant 0 : i32
    %c0_i32_0 = arith.constant 0 : i32
    return %arg0, %c0_i32 : i32, i32
  }
}

</mosaic_0001>

<sc_bundles>
// kernel: kernel.5.cloned.1.call-start
scs
__scs_entry_jumppad:
0x0: {  	(pc) =	sbr.rel $0x88, $3  }
0x1: {  	(tag) =	ssettag $0x0;
	lr =	simm.s32 $0x1  }
0x2: {  	[smem:$0x3F96] =	sst lr;
	_ =	strace $0xD0000000  }
0x3: {  	_ = 	snop  }
0x4: {  	_ = 	snop  }
0x5: {  	_ = 	snop  }
0x6: {  	_ = 	snop  }
0x7: {  	_ = 	snop  }
__scs_overlays_trampoline_lowered:
0x8: {  	[smem:$0x3FA5] =	sst s0  }
0x9: {  	[smem:$0x3FA6] =	sst s1  }
0xa: {  	[smem:$0x3FA7] =	sst s2  }
0xb: {  	[smem:$0x3FA8] =	sst s3  }
0xc: {  	[smem:$0x3FA9] =	sst s4  }
0xd: {  	[smem:$0x3FAA] =	sst s5  }
0xe: {  	[smem:$0x3FAB] =	sst s6  }
0xf: {  	[smem:$0x3FAC] =	sst s7  }
0x10: {  	[smem:$0x3FAD] =	sst s8  }
0x11: {  	[smem:$0x3FAE] =	sst s9;
	s0 =	simm.s32 @!p0 $0x0  }
0x12: {  	s1 =	sld [smem:$0x3F94];
	s0 =	simm.s32 @p0 $0x1  }
0x13: {  	[smem:$0x3FAF] =	sst s0;
	s0 =	simm.s32 @!p1 $0x0  }
0x14: {  	s2 =	sld [smem:$0x3F93];
	s0 =	simm.s32 @p1 $0x1  }
0x15: {  	[smem:$0x3FB0] =	sst s0;
	s0 =	simm.s32 @!p2 $0x0  }
0x16: {  	s3 =	sld [smem:$0x3FDB];
	s0 =	simm.s32 @p2 $0x1  }
0x17: {  	s4 =	simm.s32 $0x1BF5;
	[smem:$0x3FB2] =	sst s0  }
0x18: {  	s0 =	sld [smem:$0x3F95];
	_ =	swait.ge [sflag:s4], $0x0  }
0x19: {  	s7 =	sld [smem:$0x3F96]  }
0x1a: {  	s8 =	sadd.s32 $0xFFFFE003, lr  }
0x1b: {  	s9 =	sadd.s32 $0xFFFFFEF7, lr;
	s5 =	simm.s32 $0xFFFFFFFF;
	p2 =	slt.u32 s8, $0xFFFFF086  }
0x1c: {  	p1 =	slt.u32 s9, $0xF7A;
	s5 =	simm.s32 @!p2 $0x0  }
0x1d: {  	s5 =	simm.s32 @p1 $0x1;
	p0 =	seq.s32 s7, s2  }
0x1e: {  	s7 =	smul.u32 @!p0 $0xF7A, s2;
	p2 =	seq.s32 @!p0 s5, $0x0  }
0x1f: {  	s9 =	smul.u32 $0xF7A, s1;
	s8 =	simm.s32 @!p0 $0x1BF5;
	p2 =	por !p2, p0  }
0x20: {  	[sflag:s8] =	ssyncset.s32 @!p0 $0xFFFFF086;
	s6 =	sadd.s32 @!p0 s3, s7;
	s7 =	simm.s32 @!p0 $0x108  }
0x21: {  	s3 =	sadd.s32 s3, s9;
	s6 =	sadd.s32 @!p0 $0x88, s6;
	s7 =	simm.s32 @p2 $0x1082  }
0x22: {  	[simem:s7], [sflag:s8] =	dma.local @!p0 [hbm:s6], $0xF7A  }
0x23: {  	s9 =	sor.u32 $0xD0000000, s2;
	s6 =	simm.s32 $0x108;
	_ =	swait.ge @!p0 [sflag:s8], $0x0  }
0x24: {  	s3 =	sadd.s32 $0x88, s3;
	s6 =	simm.s32 @!p1 $0x1082;
	[sflag:s4] =	ssyncset.s32 $0xFFFFF086  }
0x25: {  	[simem:s6], [sflag:s4] =	dma.local [hbm:s3], $0xF7A  }
0x26: {  	[smem:$0x3F96] =	sst s1;
	(tag) =	ssettag s2;
	_ =	strace s9  }
0x27: {  	s1 =	sld [smem:$0x3FA6]  }
0x28: {  	s2 =	sld [smem:$0x3FA7]  }
0x29: {  	s4 =	sld [smem:$0x3FA9]  }
0x2a: {  	p0 =	seq.s32 s5, $0x0;
	s5 =	sld [smem:$0x3FAA]  }
0x2b: {  	s6 =	sld [smem:$0x3FAB]  }
0x2c: {  	s7 =	sld [smem:$0x3FAC]  }
0x2d: {  	s3 =	simm.s32 $0x108;
	s8 =	sld [smem:$0x3FAD]  }
0x2e: {  	s3 =	simm.s32 @!p0 $0x1082;
	s9 =	sld [smem:$0x3FAE]  }
0x2f: {  	lr =	sadd.s32 s0, s3;
	s0 =	sld [smem:$0x3FA5]  }
0x30: {  	s3 =	sld [smem:$0x3FA8]  }
0x31: {  	[smem:$0x3FB1] =	sst s10  }
0x32: {  	s10 =	sld [smem:$0x3FAF];
	_ =	sdelay $0x3  }
0x33: {  	p0 =	seq.s32 s10, $0x1;
	s10 =	sld [smem:$0x3FB1];
	_ =	sdelay $0x3  }
0x34: {  	[smem:$0x3FB1] =	sst s10  }
0x35: {  	s10 =	sld [smem:$0x3FB0];
	_ =	sdelay $0x3  }
0x36: {  	p1 =	seq.s32 s10, $0x1;
	s10 =	sld [smem:$0x3FB1];
	_ =	sdelay $0x3  }
0x37: {  	[smem:$0x3FB1] =	sst s10  }
0x38: {  	s10 =	sld [smem:$0x3FB2]  }
0x39: {  	_ = 	snop;
	(pc) =	sbr.ind lr, $3  }
0x3a: {  	_ = 	snop  }
0x3b: {  	_ = 	snop  }
0x3c: {  	p2 =	seq.s32 s10, $0x1;
	s10 =	sld [smem:$0x3FB1]  }
0x3d: {  	_ =	shalt  }
0x3e: {  	_ =	shalt  }
0x3f: {  	_ =	shalt  }
0x40: {  	_ =	shalt  }
0x41: {  	_ =	shalt  }
0x42: {  	_ =	shalt  }
0x43: {  	_ =	shalt  }
0x44: {  	_ =	shalt  }
0x45: {  	_ =	shalt  }
0x46: {  	_ =	shalt  }
0x47: {  	_ =	shalt  }
0x48: {  	_ =	shalt  }
0x49: {  	_ =	shalt  }
0x4a: {  	_ =	shalt  }
0x4b: {  	_ =	shalt  }
0x4c: {  	_ =	shalt  }
0x4d: {  	_ =	shalt  }
0x4e: {  	_ =	shalt  }
0x4f: {  	_ =	shalt  }
0x50: {  	_ =	shalt  }
0x51: {  	_ =	shalt  }
0x52: {  	_ =	shalt  }
0x53: {  	_ =	shalt  }
0x54: {  	_ =	shalt  }
0x55: {  	_ =	shalt  }
0x56: {  	_ =	shalt  }
0x57: {  	_ =	shalt  }
0x58: {  	_ =	shalt  }
0x59: {  	_ =	shalt  }
0x5a: {  	_ =	shalt  }
0x5b: {  	_ =	shalt  }
0x5c: {  	_ =	shalt  }
0x5d: {  	_ =	shalt  }
0x5e: {  	_ =	shalt  }
0x5f: {  	_ =	shalt  }
0x60: {  	_ =	shalt  }
0x61: {  	_ =	shalt  }
0x62: {  	_ =	shalt  }
0x63: {  	_ =	shalt  }
0x64: {  	_ =	shalt  }
0x65: {  	_ =	shalt  }
0x66: {  	_ =	shalt  }
0x67: {  	_ =	shalt  }
0x68: {  	_ =	shalt  }
0x69: {  	_ =	shalt  }
0x6a: {  	_ =	shalt  }
0x6b: {  	_ =	shalt  }
0x6c: {  	_ =	shalt  }
0x6d: {  	_ =	shalt  }
0x6e: {  	_ =	shalt  }
0x6f: {  	_ =	shalt  }
0x70: {  	_ =	shalt  }
0x71: {  	_ =	shalt  }
0x72: {  	_ =	shalt  }
0x73: {  	_ =	shalt  }
0x74: {  	_ =	shalt  }
0x75: {  	_ =	shalt  }
0x76: {  	_ =	shalt  }
0x77: {  	_ =	shalt  }
0x78: {  	_ =	shalt  }
0x79: {  	_ =	shalt  }
0x7a: {  	_ =	shalt  }
0x7b: {  	_ =	shalt  }
0x7c: {  	_ =	shalt  }
0x7d: {  	_ =	shalt  }
0x7e: {  	_ =	shalt  }
0x7f: {  	_ =	shalt  }
0x80: {  	_ =	shalt  }
0x81: {  	_ =	shalt  }
0x82: {  	_ =	shalt  }
0x83: {  	_ =	shalt  }
0x84: {  	_ =	shalt  }
0x85: {  	_ =	shalt  }
0x86: {  	_ =	shalt  }
0x87: {  	_ =	shalt  }
.Lfunc_end0:
.L_simem_size_0:
called_computation_lowered:
.L_overlay_start_0:
0x88: {  	s2 =	sld [smem:$0x3FD9]  }
0x89: {  	s3 =	sld [smem:$0x3FFE];
	_ =	sdelay $0x1  }
0x8a: {  	s1 =	srdreg.scid  }
0x8b: {  	s0 =	sand.u32 $0x1, s1  }
0x8c: {  	s17 =	sshll.u32 s0, $0xA;
	s2 =	sadd.s32 s3, s2  }
0x8d: {  	s2 =	sadd.s32 s2, s17  }
0x8e: {  	[smem:$0x3FBD] =	sst s2  }
0x8f: {  	_ = 	snop  }
0x90: {  	s2 =	sld [smem:$0x3FD0];
	(tm) =	ssettm $0x1  }
0x91: {  	s18 =	sld [smem:$0x3FFB];
	_ =	sdelay $0x3  }
0x92: {  	_ =	strace s18  }
0x93: {  	s3 =	sld [smem:$0x3FFC];
	_ =	sdelay $0x3  }
0x94: {  	_ =	strace s3  }
0x95: {  	s3 =	sld [smem:$0x3FFD];
	_ =	sdelay $0x3  }
0x96: {  	_ =	strace s3  }
0x97: {  	_ =	strace $0x8FFFFFFF  }
0x98: {  	s19 =	sld [smem:$0x3FDB];
	_ =	sdelay $0x1  }
0x99: {  	s4 =	simm.s32 $_scs_section_size  }
0x9a: {  	s5 =	simm.s32 $_size__tile_overlayer_lowered;
	s6 =	simm.s32 $_tile_overlayer_lowered  }
0x9b: {  	s22 =	simm.s32 $0x1BFF;
	s21 =	sshll.u32 s6, $0x1;
	s3 =	sadd.s32 s4, s19  }
0x9c: {  	s7 =	simm.s32 $0x0;
	s20 =	sshll.u32 s5, $0x1;
	s5 =	sadd.s32 s21, s3  }
0x9d: {  	[timem:s7], [sflag:s22] =	dma.local [hbm:s5], s20  }
0x9e: {  	_ =	swait.ge [sflag:s22], s20  }
0x9f: {  	s4 =	ssub.s32 $0x0, s20;
	[sflag:s22] =	ssyncset.done $0x0  }
0xa0: {  	[sflag:s22] =	ssyncadd.s32 s4;
	_ =	sdelay $0x1  }
0xa1: {  	s23 =	simm.s32 $0x1B8B  }
0xa2: {  	_ =	swait.ge [sflag:s23], $0x1  }
0xa3: {  	[sflag:s23] =	ssyncset.done $0x0  }
0xa4: {  	s25 =	simm.s32 $0x1B8E;
	s24 =	sld [smem:$0x3FFE];
	[sflag:s23] =	ssyncadd.s32 $0xFFFFFFFF  }
0xa5: {  	s26 =	simm.s32 $execute0_lowered;
	[smem:$0x3FD2] =	sst s25  }
0xa6: {  	s5 =	sshll.u32 s26, $0x1;
	_ =	strace $0x80000046;
	[dreg:$0x1] =	wrdreg $0xFFFFFFFF  }
0xa7: {  	s28 =	simm.s32 $_size_execute0_lowered;
	s3 =	sadd.s32 s3, s5;
	[dreg:$0x0] =	wrdreg $0x0  }
0xa8: {  	s5 =	sshll.u32 s28, $0x1;
	[dreg:$0x2] =	wrdreg s3  }
0xa9: {  	[dreg:$0x3] =	wrdreg s5  }
0xaa: {  	[dreg:$0x4] =	wrdreg $0xC0  }
0xab: {  	_ =	task [dreg:s7], $0x5FFFF  }
0xac: {  	[dreg:$0x1] =	wrdreg $0xFFFFFFFF  }
0xad: {  	[dreg:$0x0] =	wrdreg $0x60  }
0xae: {  	[dreg:$0x2] =	wrdreg s24  }
0xaf: {  	[dreg:$0x3] =	wrdreg s2  }
0xb0: {  	[dreg:$0x4] =	wrdreg $0xC1C00  }
0xb1: {  	[dreg:$0x5] =	wrdreg $0x9  }
0xb2: {  	_ =	task.clear_ibuf [dreg:s7], $0x6FFFF;
	_ =	strace $0x90000046  }
0xb3: {  	s29 =	simm.s32 $0x9;
	_ =	strace $0x80000048  }
0xb4: {  	_ =	swait.ge [sflag:s29], $0x1  }
0xb5: {  	[sflag:s29] =	ssyncadd.s32 $0xFFFFFFFF  }
0xb6: {  	_ =	strace $0x90000048  }
0xb7: {  	_ =	sfence  }
0xb8: {  	s30 =	sld [smem:$0x0];
	_ =	sdelay $0x2  }
0xb9: {  	s31 =	sshll.u32 s1, $0xD;
	s1 =	sshrl.u32 s1, $0x2  }
0xba: {  	s3 =	sand.u32 $0x4000, s31;
	s1 =	sadd.s32 s1, s30  }
0xbb: {  	s0 =	sor.u32 s3, s0;
	s1 =	sshll.u32 s1, $0x11  }
0xbc: {  	s0 =	sor.u32 s1, s0  }
0xbd: {  	s0 =	sadd.s32 $0x8F2B, s0  }
0xbe: {  	[sflag:s0] =	ssyncadd.remote.s32 $0x1  }
0xbf: {  	_ =	sfence.sel $0xFFFF  }
0xc0: {  	[dreg:$0x0] =	wrdreg $0xFFFFFFFF;
	(pc) =	sbr.abs _section_cstart, $3  }
0xc1: {  	[dreg:$0x1] =	wrdreg $0xFFFFFFFF  }
0xc2: {  	_ =	task.clear_ibuf [dreg:s7], $0x2FFFF;
	_ =	strace $0x9FFFFFFF  }
0xc3: {  	(tm) =	ssettm $0x7FFFFFFF  }
tec
execute0_lowered:
.L_overlay_start_1:
0x0: {  	(tag) =	ssettag $0x1  }
0x1: {  	s0 =	rddreg [dreg:$0x0]  }
0x2: {  	s2 =	rddreg [dreg:$0x1];
	s15 =	stileid.u32  }
0x3: {  	s1 =	srdreg.scid;
	s6 =	smul.u32 $0x13C00, s15  }
0x4: {  	s3 =	rddreg [dreg:$0x2];
	s4 =	simm.s32 $0x0;
	s9 =	smul.u32 $0x2780, s15  }
0x5: {  	s28 =	simm.s32 $0x5230;
	s1 =	sand.u32 $0x1, s1;
	s12 =	smul.u32 $0x4F000, s15  }
0x6: {  	s29 =	simm.s32 $0x40;
	s30 =	simm.s32 $0xA1C0;
	s5 =	smul.u32 $0x13C000, s1  }
0x7: {  	s31 =	simm.s32 $0x1;
	[smem:$0x7FF] =	sst s4;
	s7 =	smul.u32 $0x27800, s1  }
0x8: {  	s10 =	sadd.s32 $0xCE00, s0;
	_ =	strace $0x80000047;
	s24 =	smul.u32 $0x5000, s1  }
0x9: {  	s11 =	ssub.s32 $0x2, s1;
	s14 =	smul.u32 $0xA00, s1;
	s22 =	sshll.u32 s1, $0x4  }
0xa: {  	p0 =	seq.s32 s1, $0x0;
	s1 =	simm.s32 $0x5A30;
	s13 =	sshrl.u32 s11, $0x1  }
0xb: {  	s12 =	sshrl.u32 s12, $0x2;
	s23 =	sor.u32 s15, s22;
	s8 =	sadd.s32 s6, s5  }
0xc: {  	s5 =	sadd.s32 $0x2E00, s0;
	s25 =	sadd.s32 s10, s14;
	s26 =	sadd.s32 s12, s3  }
0xd: {  	s7 =	sadd.s32 s9, s7;
	[dreg:$0x4] =	wrdreg s25;
	s12 =	sadd.s32 $0x2000, s26  }
0xe: {  	s11 =	ssub.s32 s11, s13;
	s13 =	sadd.s32 $0x4000, s26;
	[dreg:$0x6] =	wrdreg s12  }
0xf: {  	s9 =	sshrl.u32 s24, $0x3;
	s14 =	sadd.s32 $0x6000, s26;
	[dreg:$0x7] =	wrdreg s13  }
0x10: {  	s8 =	sshrl.u32 s8, $0x3;
	s16 =	sadd.s32 $0x8000, s26;
	[dreg:$0x8] =	wrdreg s14  }
0x11: {  	s7 =	sshrl.u32 s7, $0x3;
	s17 =	sadd.s32 $0xA000, s26;
	[dreg:$0x9] =	wrdreg s16  }
0x12: {  	s9 =	sadd.s32 s10, s9;
	s18 =	sadd.s32 $0xC000, s26;
	[dreg:$0xa] =	wrdreg s17  }
0x13: {  	s19 =	sadd.s32 $0xE000, s26;
	s20 =	sadd.s32 $0x10000, s26;
	[dreg:$0xb] =	wrdreg s18  }
0x14: {  	s21 =	sadd.s32 $0x12000, s26;
	s10 =	simm.s32 $0x36200;
	[dreg:$0xc] =	wrdreg s19  }
0x15: {  	s26 =	smax.u32 s11, $0x1;
	s8 =	sadd.s32 s8, s0;
	[dreg:$0xd] =	wrdreg s20  }
0x16: {  	v2 =	vimm.s32 $0xFFEDCBA9;
	v3 =	vimm.s32 $0x87654321;
	s7 =	sadd.s32 s7, s0;
	s9 =	sadd.s32 $0x500, s9;
	[dreg:$0xe] =	wrdreg s21  }
0x17: {  	v1 =	vimm.s32 $0xEDCBA987;
	v2 =	vunpack.c.l.s4.s8 v2;
	v3 =	vunpack.c.l.s4.s8 v3;
	s13 =	sadd.s32 s6, s3;
	s18 =	smul.u32 $0xA, s23;
	s10 =	simm.s32 @!p0 $0xE200  }
0x18: {  	v0 =	vimm.s32 $0x65432100;
	v1 =	vunpack.c.l.s4.s8 v1;
	[dreg:$0x12] =	wrdreg s26;
	s23 =	simm.s32 $0x5;
	s26 =	simm.s32 $0x4E30  }
0x19: {  	v0 =	vunpack.c.l.s4.s8 v0;
	v2 =	vunpack.c.0.s8.s32 v2;
	v3 =	vunpack.c.0.s8.s32 v3;
	s6 =	simm.s32 $0x5630;
	[dreg:$0x5] =	wrdreg s9;
	s24 =	sadd.s32 $0x5E200, s7  }
0x1a: {  	v1 =	vunpack.c.0.s8.s32 v1;
	s25 =	sadd.s32 $0x68000, s8;
	s22 =	sadd.s32 s10, s0;
	s0 =	simm.s32 $0x5A40  }
0x1b: {  	v4 =	vunpack.c.0.s8.s32 v0;
	v2 =	vcombine.low v3, v2;
	s7 =	simm.s32 $0x3;
	s8 =	simm.s32 $0x2;
	[dreg:$0xf] =	wrdreg s13  }
0x1c: {  	vm0 =	vmmov $0x1;
	vm1 =	vcmask $0x3F3C;
	v1 =	vand.u32 $0xF, v1;
	s9 =	simm.s32 $0x4;
	s10 =	simm.s32 $0x0;
	[dreg:$0x10] =	wrdreg s24  }
0x1d: {  	v0 =	vimm.f32 $0.0e+00;
	v1 =	vcombine.low v4, v1;
	v2 =	vand.u32 $0xF, v2;
	[dreg:$0x11] =	wrdreg s25;
	s24 =	simm.s32 $0x2710;
	s25 =	simm.s32 $0x81C0  }
.LBB2_1:
0x1e: {  	s11 =	rddreg [dreg:$0x4]  }
0x1f: {  	[tilespmem:s4], [sflag:$0x5] =	stream.linear.gather [hbm4b:s11+s4], $0x2710, $0x38;
	[tilespmem:$0x1FDC0] =	vst v63  }
0x20: {  	_ =	swait.ge [sflag:s23], $0x2710  }
0x21: {  	[sflag:s23] =	ssyncset.done $0x0  }
0x22: {  	s21 =	rddreg [dreg:$0x5];
	[sflag:s23] =	ssyncadd.s32 $0xFFFFD8F0  }
0x23: {  	[tilespmem:s24], [sflag:$0x5] =	stream.linear.gather [hbm4b:s21+s4], $0x2710, $0x38;
	[tilespmem:$0x1FDC0] =	vst v63  }
0x24: {  	_ =	swait.ge [sflag:s23], $0x2710  }
0x25: {  	[sflag:s23] =	ssyncset.done $0x0  }
0x26: {  	[sflag:s23] =	ssyncadd.s32 $0xFFFFD8F0  }
0x27: {  	s11 =	simm.s32 $0x0;
	[tilespmem:$0x4E20] =	vst v0  }
.LBB2_2:
0x28: {  	p0 =	sne.s32 s11, $0x9DC0  }
.Ltmp0:
0x29: {  	_ = 	snop;
	(pc) =	sbr.rel @p0 .LBB2_2-.Ltmp0, $3  }
0x2a: {  	_ =	sdelay $0x1  }
0x2b: {  	s12 =	sshra.s32 s11, $0x2  }
0x2c: {  	s11 =	sadd.s32 $0x40, s11;
	[tilespmem:s12+$0x5A40] =	vst v0  }
0x2d: {  	s11 =	simm.s32 $0x0;
	s12 =	simm.s32 $0x200  }
.LBB2_4:
0x2e: {  	p0 =	sne.s32 s12, $0x7E00;
	[tilespmem:s11+$0x8230] =	vst v0  }
0x2f: {  	[tilespmem:s11+$0x81C0] =	vst v0  }
0x30: {  	[tilespmem:s11+$0x81D0] =	vst v0  }
.Ltmp1:
0x31: {  	[tilespmem:s11+$0x81E0] =	vst v0;
	(pc) =	sbr.rel @p0 .LBB2_4-.Ltmp1, $4  }
0x32: {  	[tilespmem:s11+$0x81F0] =	vst v0  }
0x33: {  	[tilespmem:s11+$0x8200] =	vst v0  }
0x34: {  	[tilespmem:s11+$0x8210] =	vst v0  }
0x35: {  	[tilespmem:s11+$0x8220] =	vst v0;
	s11 =	sshra.s32 s12, $0x2;
	s12 =	sadd.s32 $0x200, s12  }
0x36: {  	[tilespmem:s11+$0x8230] =	vst v0  }
0x37: {  	[tilespmem:s11+$0x81C0] =	vst v0  }
0x38: {  	[tilespmem:s11+$0x81D0] =	vst v0  }
0x39: {  	[tilespmem:s11+$0x81E0] =	vst v0  }
0x3a: {  	[tilespmem:s11+$0x81F0] =	vst v0  }
0x3b: {  	[tilespmem:s11+$0x8200] =	vst v0  }
0x3c: {  	[tilespmem:s11+$0x8210] =	vst v0  }
0x3d: {  	[tilespmem:s11+$0x8220] =	vst v0  }
0x3e: {  	[spmem:s13] =	stream.linear.scatter [tilespmem:s25], [sflag:$0x5], $0x2000, $0x38;
	[tilespmem:$0x1FDC0] =	vst v63  }
0x3f: {  	_ =	swait.ge [sflag:s23], $0x2000  }
0x40: {  	[sflag:s23] =	ssyncset.done $0x0  }
0x41: {  	s12 =	rddreg [dreg:$0x6];
	[sflag:s23] =	ssyncadd.s32 $0xFFFFE000  }
0x42: {  	[spmem:s12] =	stream.linear.scatter [tilespmem:s25], [sflag:$0x5], $0x2000, $0x38;
	[tilespmem:$0x1FDC0] =	vst v63  }
0x43: {  	_ =	swait.ge [sflag:s23], $0x2000  }
0x44: {  	[sflag:s23] =	ssyncset.done $0x0  }
0x45: {  	s13 =	rddreg [dreg:$0x7];
	[sflag:s23] =	ssyncadd.s32 $0xFFFFE000  }
0x46: {  	[spmem:s13] =	stream.linear.scatter [tilespmem:s25], [sflag:$0x5], $0x2000, $0x38;
	[tilespmem:$0x1FDC0] =	vst v63  }
0x47: {  	_ =	swait.ge [sflag:s23], $0x2000  }
0x48: {  	[sflag:s23] =	ssyncset.done $0x0  }
0x49: {  	s14 =	rddreg [dreg:$0x8];
	[sflag:s23] =	ssyncadd.s32 $0xFFFFE000  }
0x4a: {  	[spmem:s14] =	stream.linear.scatter [tilespmem:s25], [sflag:$0x5], $0x2000, $0x38;
	[tilespmem:$0x1FDC0] =	vst v63  }
0x4b: {  	_ =	swait.ge [sflag:s23], $0x2000  }
0x4c: {  	[sflag:s23] =	ssyncset.done $0x0  }
0x4d: {  	s15 =	rddreg [dreg:$0x9];
	[sflag:s23] =	ssyncadd.s32 $0xFFFFE000  }
0x4e: {  	[spmem:s15] =	stream.linear.scatter [tilespmem:s25], [sflag:$0x5], $0x2000, $0x38;
	[tilespmem:$0x1FDC0] =	vst v63  }
0x4f: {  	_ =	swait.ge [sflag:s23], $0x2000  }
0x50: {  	[sflag:s23] =	ssyncset.done $0x0  }
0x51: {  	s16 =	rddreg [dreg:$0xa];
	[sflag:s23] =	ssyncadd.s32 $0xFFFFE000  }
0x52: {  	[spmem:s16] =	stream.linear.scatter [tilespmem:s25], [sflag:$0x5], $0x2000, $0x38;
	[tilespmem:$0x1FDC0] =	vst v63  }
0x53: {  	_ =	swait.ge [sflag:s23], $0x2000  }
0x54: {  	[sflag:s23] =	ssyncset.done $0x0  }
0x55: {  	s17 =	rddreg [dreg:$0xb];
	[sflag:s23] =	ssyncadd.s32 $0xFFFFE000  }
0x56: {  	[spmem:s17] =	stream.linear.scatter [tilespmem:s25], [sflag:$0x5], $0x2000, $0x38;
	[tilespmem:$0x1FDC0] =	vst v63  }
0x57: {  	_ =	swait.ge [sflag:s23], $0x2000  }
0x58: {  	[sflag:s23] =	ssyncset.done $0x0  }
0x59: {  	s19 =	rddreg [dreg:$0xc];
	[sflag:s23] =	ssyncadd.s32 $0xFFFFE000  }
0x5a: {  	[spmem:s19] =	stream.linear.scatter [tilespmem:s25], [sflag:$0x5], $0x2000, $0x38;
	[tilespmem:$0x1FDC0] =	vst v63  }
0x5b: {  	_ =	swait.ge [sflag:s23], $0x2000  }
0x5c: {  	[sflag:s23] =	ssyncset.done $0x0  }
0x5d: {  	s20 =	rddreg [dreg:$0xd];
	[sflag:s23] =	ssyncadd.s32 $0xFFFFE000  }
0x5e: {  	[spmem:s20] =	stream.linear.scatter [tilespmem:s25], [sflag:$0x5], $0x2000, $0x38;
	[tilespmem:$0x1FDC0] =	vst v63  }
0x5f: {  	_ =	swait.ge [sflag:s23], $0x2000  }
0x60: {  	[sflag:s23] =	ssyncset.done $0x0  }
0x61: {  	s21 =	rddreg [dreg:$0xe];
	[sflag:s23] =	ssyncadd.s32 $0xFFFFE000  }
0x62: {  	[spmem:s21] =	stream.linear.scatter [tilespmem:s25], [sflag:$0x5], $0x1C00, $0x38;
	[tilespmem:$0x1FDC0] =	vst v63  }
0x63: {  	_ =	swait.ge [sflag:s23], $0x1C00  }
0x64: {  	[sflag:s23] =	ssyncset.done $0x0  }
0x65: {  	[sflag:s23] =	ssyncadd.s32 $0xFFFFE400  }
0x66: {  	s11 =	simm.s32 $0x0;
	s12 =	simm.s32 $0x0;
	[bflag:$0x0] =	sbarrier.arrive $0xFFFF  }
.LBB2_6:
0x67: {  	s13 =	sadd.s32 s18, s12  }
0x68: {  	s13 =	sshll.u32 s13, $0x7  }
0x69: {  	s14 =	sadd.s32 s2, s13  }
0x6a: {  	[tilespmem:s26], [sflag:$0x5] =	stream.linear.gather [hbm4b:s14+s11], $0x400, $0x38;
	[tilespmem:$0x1FDC0] =	vst v63  }
0x6b: {  	_ =	swait.ge [sflag:s23], $0x400  }
0x6c: {  	[sflag:s23] =	ssyncset.done $0x0  }
0x6d: {  	s13 =	sadd.s32 s5, s13;
	[sflag:s23] =	ssyncadd.s32 $0xFFFFFC00  }
0x6e: {  	[tilespmem:s28], [sflag:$0x5] =	stream.linear.gather [hbm4b:s13+s11], $0x400, $0x38;
	[tilespmem:$0x1FDC0] =	vst v63  }
0x6f: {  	_ =	swait.ge [sflag:s23], $0x400  }
0x70: {  	[sflag:s23] =	ssyncset.done $0x0  }
0x71: {  	s14 =	simm.s32 $0x0;
	s13 =	simm.s32 $0x0;
	[sflag:s23] =	ssyncadd.s32 $0xFFFFFC00  }
0x72: {  	[tilespmem:s25], [sflag:$0x1] =	stream.indirect.gather [hbm4b:s22+s29], $0x80, s26, s29, $0xb8;
	[tilespmem:$0x1FDC0] =	vst v63  }
.LBB2_7:
0x73: {  	s15 =	sshll.u32 s14, $0x1;
	p0 =	seq.s32 s14, $0x0  }
0x74: {  	s16 =	simm.s32 @!p0 $0x4;
	s15 =	sor.u32 $0x1, s15  }
0x75: {  	_ =	swait.ge @!p0 [sflag:s16], $0x2000;
	s15 =	sshll.u32 s15, $0x6  }
0x76: {  	[sflag:s16] =	ssyncset.done @!p0 $0x0;
	s19 =	sand.u32 $0x3FFFFFC0, s15  }
0x77: {  	[sflag:s16] =	ssyncadd.s32 @!p0 $0xFFFFE000;
	s21 =	sadd.s32 $0x4E30, s19  }
0x78: {  	[tilespmem:s30], [sflag:$0x2] =	stream.indirect.gather [hbm4b:s22+s29], $0x80, s21, s29, $0xb8;
	[tilespmem:$0x1FDC0] =	vst v63  }
0x79: {  	_ =	swait.ge [sflag:s31], $0x2000  }
0x7a: {  	[sflag:s31] =	ssyncset.done $0x0  }
0x7b: {  	s17 =	sshll.u32 s14, $0x7;
	[sflag:s31] =	ssyncadd.s32 $0xFFFFE000  }
0x7c: {  	v3 =	vld [tilespmem:s17+$0x4E30]  }
0x7d: {  	v4 =	vld [tilespmem:s17+$0x5230];
	_ =	sdelay $0x5  }
0x7e: {  	s21 =	simm.s32 $0x0  }
0x7f: {  	v3 =	vld.idx.msk [tilespmem:v3+s21+$0x0], $0xffff  }
0x80: {  	v5 =	vld.idx.msk [tilespmem:v4+s24+$0x0], $0xffff;
	_ =	sdelay $0x4  }
0x81: {  	v3 =	vadd.f32 v5, v3;
	_ =	sdelay $0x1  }
0x82: {  	v5 =	vmul.f32 $2.000000030e-01, v3  }
0x83: {  	vm2 =	vge.f32 v3, $0.0e+00  }
0x84: {  	v3 =	vsel vm2, v3, v5  }
0x85: {  	v3 =	vmul.f32 $1.442695020e+00, v3;
	_ =	sdelay $0x1  }
0x86: {  	(erf) = vpow2.f32 v3;
	_ =	sdelay $0x8  }
0x87: {  	v4 =	vxor.u32 $0x80000000, v4;
	v3 =	vpop (erf)  }
0x88: {  	(xrf1) =	vsort.ascd.msk.u32 $0xffff, v4, v3;
	_ =	sdelay $0xd  }
0x89: {  	v4, v5, _ =	vpop (xrf1)  }
0x8a: {  	(xrf2) =	vadd.scan.msk.f32 $0xffff, v5;
	_ =	sdelay $0x3  }
0x8b: {  	[tilespmem:s17+$0x5630] =	vst v3;
	v3 =	vxor.u32 $0x80000000, v4  }
0x8c: {  	[tilespmem:$0x5A30] =	vst v3  }
0x8d: {  	v4 =	vld.idx.msk [tilespmem:v1+s1+$0x0], $0xffff;
	_ =	sdelay $0x3  }
0x8e: {  	v6, _, _ =	vpop (xrf2)  }
0x8f: {  	v7 =	vld.idx.msk [tilespmem:v2+s1+$0x0], $0xffff;
	vm2 =	vne.s32 v3, v4;
	v4 =	vsub.f32 v6, v5  }
0x90: {  	vm2 =	vmor vm2, vm0  }
0x91: {  	v4 =	vnsel vm2, $0xFF61B1E6, v4  }
0x92: {  	(xrf0) =	vmax.scan.msk.f32 $0xffff, v4;
	_ =	sdelay $0x1  }
0x93: {  	vm2 =	vne.s32 v3, v7  }
0x94: {  	vm2 =	vmor vm2, vm1;
	_ =	sdelay $0x2  }
0x95: {  	v4, _, _ =	vpop (xrf0)  }
0x96: {  	v4 =	vsub.f32 v6, v4;
	_ =	sdelay $0x1  }
0x97: {  	[tilespmem:v3+s0+$0x0] =	vst.idx.add.f32.msk vm2, v4  }
0x98: {  	v3 =	vld [tilespmem:s17+$0x4E40]  }
0x99: {  	v4 =	vld [tilespmem:s17+$0x5240];
	_ =	sdelay $0x6  }
0x9a: {  	v3 =	vld.idx.msk [tilespmem:v3+s21+$0x0], $0xffff  }
0x9b: {  	v5 =	vld.idx.msk [tilespmem:v4+s24+$0x0], $0xffff;
	_ =	sdelay $0x4  }
0x9c: {  	v3 =	vadd.f32 v5, v3;
	_ =	sdelay $0x1  }
0x9d: {  	v5 =	vmul.f32 $2.000000030e-01, v3  }
0x9e: {  	vm2 =	vge.f32 v3, $0.0e+00  }
0x9f: {  	v3 =	vsel vm2, v3, v5  }
0xa0: {  	v3 =	vmul.f32 $1.442695020e+00, v3;
	_ =	sdelay $0x1  }
0xa1: {  	(erf) = vpow2.f32 v3;
	_ =	sdelay $0x8  }
0xa2: {  	v4 =	vxor.u32 $0x80000000, v4;
	v3 =	vpop (erf)  }
0xa3: {  	(xrf1) =	vsort.ascd.msk.u32 $0xffff, v4, v3;
	_ =	sdelay $0xd  }
0xa4: {  	v4, v5, _ =	vpop (xrf1)  }
0xa5: {  	(xrf2) =	vadd.scan.msk.f32 $0xffff, v5;
	_ =	sdelay $0x3  }
0xa6: {  	[tilespmem:s17+$0x5640] =	vst v3;
	v3 =	vxor.u32 $0x80000000, v4  }
0xa7: {  	[tilespmem:$0x5A30] =	vst v3  }
0xa8: {  	v4 =	vld.idx.msk [tilespmem:v1+s1+$0x0], $0xffff;
	_ =	sdelay $0x3  }
0xa9: {  	v6, _, _ =	vpop (xrf2)  }
0xaa: {  	v7 =	vld.idx.msk [tilespmem:v2+s1+$0x0], $0xffff;
	vm2 =	vne.s32 v3, v4;
	v4 =	vsub.f32 v6, v5  }
0xab: {  	vm2 =	vmor vm2, vm0  }
0xac: {  	v4 =	vnsel vm2, $0xFF61B1E6, v4  }
0xad: {  	(xrf0) =	vmax.scan.msk.f32 $0xffff, v4;
	_ =	sdelay $0x1  }
0xae: {  	vm2 =	vne.s32 v3, v7  }
0xaf: {  	vm2 =	vmor vm2, vm1;
	_ =	sdelay $0x2  }
0xb0: {  	v4, _, _ =	vpop (xrf0)  }
0xb1: {  	v4 =	vsub.f32 v6, v4;
	_ =	sdelay $0x1  }
0xb2: {  	[tilespmem:v3+s0+$0x0] =	vst.idx.add.f32.msk vm2, v4  }
0xb3: {  	v3 =	vld [tilespmem:s17+$0x4E50]  }
0xb4: {  	v4 =	vld [tilespmem:s17+$0x5250];
	_ =	sdelay $0x6  }
0xb5: {  	v3 =	vld.idx.msk [tilespmem:v3+s21+$0x0], $0xffff  }
0xb6: {  	v5 =	vld.idx.msk [tilespmem:v4+s24+$0x0], $0xffff;
	_ =	sdelay $0x4  }
0xb7: {  	v3 =	vadd.f32 v5, v3;
	_ =	sdelay $0x1  }
0xb8: {  	v5 =	vmul.f32 $2.000000030e-01, v3  }
0xb9: {  	vm2 =	vge.f32 v3, $0.0e+00  }
0xba: {  	v3 =	vsel vm2, v3, v5  }
0xbb: {  	v3 =	vmul.f32 $1.442695020e+00, v3;
	_ =	sdelay $0x1  }
0xbc: {  	(erf) = vpow2.f32 v3;
	_ =	sdelay $0x8  }
0xbd: {  	v4 =	vxor.u32 $0x80000000, v4;
	v3 =	vpop (erf)  }
0xbe: {  	(xrf1) =	vsort.ascd.msk.u32 $0xffff, v4, v3;
	_ =	sdelay $0xd  }
0xbf: {  	v4, v5, _ =	vpop (xrf1)  }
0xc0: {  	(xrf2) =	vadd.scan.msk.f32 $0xffff, v5;
	_ =	sdelay $0x3  }
0xc1: {  	[tilespmem:s17+$0x5650] =	vst v3;
	v3 =	vxor.u32 $0x80000000, v4  }
0xc2: {  	[tilespmem:$0x5A30] =	vst v3  }
0xc3: {  	v4 =	vld.idx.msk [tilespmem:v1+s1+$0x0], $0xffff;
	_ =	sdelay $0x3  }
0xc4: {  	v6, _, _ =	vpop (xrf2)  }
0xc5: {  	v7 =	vld.idx.msk [tilespmem:v2+s1+$0x0], $0xffff;
	vm2 =	vne.s32 v3, v4;
	v4 =	vsub.f32 v6, v5  }
0xc6: {  	vm2 =	vmor vm2, vm0  }
0xc7: {  	v4 =	vnsel vm2, $0xFF61B1E6, v4  }
0xc8: {  	(xrf0) =	vmax.scan.msk.f32 $0xffff, v4;
	_ =	sdelay $0x1  }
0xc9: {  	vm2 =	vne.s32 v3, v7  }
0xca: {  	vm2 =	vmor vm2, vm1;
	_ =	sdelay $0x2  }
0xcb: {  	v4, _, _ =	vpop (xrf0)  }
0xcc: {  	v4 =	vsub.f32 v6, v4;
	_ =	sdelay $0x1  }
0xcd: {  	[tilespmem:v3+s0+$0x0] =	vst.idx.add.f32.msk vm2, v4  }
0xce: {  	v3 =	vld [tilespmem:s17+$0x4E60]  }
0xcf: {  	v4 =	vld [tilespmem:s17+$0x5260];
	_ =	sdelay $0x6  }
0xd0: {  	v3 =	vld.idx.msk [tilespmem:v3+s21+$0x0], $0xffff  }
0xd1: {  	v5 =	vld.idx.msk [tilespmem:v4+s24+$0x0], $0xffff;
	_ =	sdelay $0x4  }
0xd2: {  	v3 =	vadd.f32 v5, v3;
	_ =	sdelay $0x1  }
0xd3: {  	v5 =	vmul.f32 $2.000000030e-01, v3  }
0xd4: {  	vm2 =	vge.f32 v3, $0.0e+00  }
0xd5: {  	v3 =	vsel vm2, v3, v5  }
0xd6: {  	v3 =	vmul.f32 $1.442695020e+00, v3;
	_ =	sdelay $0x1  }
0xd7: {  	(erf) = vpow2.f32 v3;
	_ =	sdelay $0x8  }
0xd8: {  	v4 =	vxor.u32 $0x80000000, v4;
	v3 =	vpop (erf)  }
0xd9: {  	(xrf1) =	vsort.ascd.msk.u32 $0xffff, v4, v3;
	_ =	sdelay $0xd  }
0xda: {  	v4, v5, _ =	vpop (xrf1)  }
0xdb: {  	(xrf2) =	vadd.scan.msk.f32 $0xffff, v5;
	_ =	sdelay $0x3  }
0xdc: {  	[tilespmem:s17+$0x5660] =	vst v3;
	v3 =	vxor.u32 $0x80000000, v4  }
0xdd: {  	[tilespmem:$0x5A30] =	vst v3  }
0xde: {  	v4 =	vld.idx.msk [tilespmem:v1+s1+$0x0], $0xffff;
	_ =	sdelay $0x3  }
0xdf: {  	v6, _, _ =	vpop (xrf2)  }
0xe0: {  	v7 =	vld.idx.msk [tilespmem:v2+s1+$0x0], $0xffff;
	vm2 =	vne.s32 v3, v4;
	v4 =	vsub.f32 v6, v5  }
0xe1: {  	vm2 =	vmor vm2, vm0  }
0xe2: {  	v4 =	vnsel vm2, $0xFF61B1E6, v4  }
0xe3: {  	(xrf0) =	vmax.scan.msk.f32 $0xffff, v4;
	_ =	sdelay $0x1  }
0xe4: {  	vm2 =	vne.s32 v3, v7  }
0xe5: {  	vm2 =	vmor vm2, vm1;
	_ =	sdelay $0x2  }
0xe6: {  	v4, _, _ =	vpop (xrf0)  }
0xe7: {  	v4 =	vsub.f32 v6, v4;
	_ =	sdelay $0x1  }
0xe8: {  	s19 =	simm.s32 $0x8240;
	[tilespmem:v3+s0+$0x0] =	vst.idx.add.f32.msk vm2, v4  }
0xe9: {  	v3 =	vld [tilespmem:s19+$0xFFFFFFF0]  }
0xea: {  	v10 =	vld [tilespmem:s19+$0x50]  }
0xeb: {  	s20 =	sadd.s32 $0x0, s13;
	v11 =	vld [tilespmem:s19+$0x60]  }
0xec: {  	v4 =	vmov s20;
	s20 =	sadd.s32 $0x1, s20;
	v9 =	vld [tilespmem:s19+$0x0]  }
0xed: {  	v4 =	vand.u32 $0xFFFFFFFE, v4;
	v5 =	vmov s20;
	v17 =	vld [tilespmem:s19+$0x70]  }
0xee: {  	v6 =	vld [tilespmem:s19+$0xFFFFFFD0];
	v4 =	vbroadcast v4, $0x0  }
0xef: {  	v13 =	vld [tilespmem:s19+$0x20]  }
0xf0: {  	v7 =	vld [tilespmem:s19+$0x40]  }
0xf1: {  	v12 =	vld [tilespmem:s19+$0x30]  }
0xf2: {  	v5 =	vld.idx.msk [tilespmem:v5+s6+$0x0], $0xffff  }
0xf3: {  	v15 =	vld [tilespmem:s19+$0xFFFFFF80]  }
0xf4: {  	v4 =	vld.idx.msk [tilespmem:v4+s6+$0x0], $0xffff  }
0xf5: {  	v19 =	vld [tilespmem:s19+$0xFFFFFFA0]  }
0xf6: {  	v8 =	vld [tilespmem:s19+$0xFFFFFF90]  }
0xf7: {  	v14 =	vld [tilespmem:s19+$0xFFFFFFB0];
	v18 =	vmul.f32 v9, v5;
	v12 =	vmul.f32 v12, v5  }
0xf8: {  	v9 =	vld [tilespmem:s19+$0x10];
	v16 =	vmul.f32 v13, v5;
	v20 =	vmul.f32 v10, v5  }
0xf9: {  	v10 =	vld [tilespmem:s19+$0xFFFFFFE0];
	v17 =	vmul.f32 v17, v5;
	v13 =	vmul.f32 v15, v4;
	[tilespmem:s19+$0x0] =	vst v18  }
0xfa: {  	s16 =	sadd.s32 $0x5230, s17;
	s21 =	simm.s32 $0x8240;
	s20 =	simm.s32 $0x2;
	v18 =	vmul.f32 v11, v5;
	v11 =	vmul.f32 v19, v4;
	v15 =	vld [tilespmem:s19+$0xFFFFFFC0];
	[tilespmem:s19+$0x50] =	vst v20  }
.LBB2_8:
0xfb: {  	p0 =	sne.s32 s20, $0x3E  }
0xfc: {  	v8 =	vmul.f32 v8, v4;
	v3 =	vmul.f32 v3, v4;
	[tilespmem:s19+$0x60] =	vst v18;
	s21 =	sadd.s32 $0x100, s21;
	s17 =	smov.u32 s20;
	s20 =	sadd.s32 $0x2, s20  }
0xfd: {  	v6 =	vmul.f32 v6, v4;
	v14 =	vmul.f32 v14, v4;
	[tilespmem:s19+$0x20] =	vst v16  }
0xfe: {  	v9 =	vmul.f32 v9, v5;
	[tilespmem:s19+$0x30] =	vst v12;
	v5 =	vmul.f32 v7, v5  }
0xff: {  	v7 =	vmul.f32 v10, v4;
	[tilespmem:s19+$0x70] =	vst v17  }
0x100: {  	[tilespmem:s19+$0xFFFFFFF0] =	vst v3  }
0x101: {  	v4 =	vmul.f32 v15, v4;
	[tilespmem:s19+$0xFFFFFF80] =	vst v13  }
0x102: {  	v3 =	vld [tilespmem:s21+$0xFFFFFFF0];
	[tilespmem:s19+$0xFFFFFFD0] =	vst v6  }
0x103: {  	s17 =	sadd.s32 s17, s13;
	v10 =	vld [tilespmem:s21+$0x50];
	[tilespmem:s19+$0xFFFFFFA0] =	vst v11  }
0x104: {  	v6 =	vmov s17;
	s17 =	sadd.s32 $0x1, s17;
	v11 =	vld [tilespmem:s21+$0x60];
	[tilespmem:s19+$0x40] =	vst v5  }
0x105: {  	v12 =	vmov s17;
	v5 =	vand.u32 $0xFFFFFFFE, v6;
	v13 =	vld [tilespmem:s21+$0x0];
	[tilespmem:s19+$0xFFFFFFB0] =	vst v14  }
0x106: {  	v14 =	vbroadcast v5, $0x0;
	v17 =	vld [tilespmem:s21+$0x70];
	[tilespmem:s19+$0xFFFFFFC0] =	vst v4  }
0x107: {  	v6 =	vld [tilespmem:s21+$0xFFFFFFD0];
	[tilespmem:s19+$0xFFFFFFE0] =	vst v7  }
0x108: {  	v15 =	vld [tilespmem:s21+$0x20];
	[tilespmem:s19+$0x10] =	vst v9  }
0x109: {  	v7 =	vld [tilespmem:s21+$0x40];
	[tilespmem:s19+$0xFFFFFF90] =	vst v8;
	s19 =	smov.u32 s21  }
0x10a: {  	v5 =	vld.idx.msk [tilespmem:v12+s6+$0x0], $0xffff  }
0x10b: {  	v9 =	vld [tilespmem:s21+$0x30]  }
0x10c: {  	v4 =	vld.idx.msk [tilespmem:v14+s6+$0x0], $0xffff  }
0x10d: {  	v18 =	vld [tilespmem:s21+$0xFFFFFF80]  }
0x10e: {  	v19 =	vld [tilespmem:s21+$0xFFFFFFA0]  }
.Ltmp2:
0x10f: {  	v8 =	vld [tilespmem:s21+$0xFFFFFF90];
	(pc) =	sbr.rel @p0 .LBB2_8-.Ltmp2, $4  }
0x110: {  	v20 =	vmul.f32 v13, v5;
	v14 =	vld [tilespmem:s21+$0xFFFFFFB0];
	v12 =	vmul.f32 v9, v5  }
0x111: {  	v16 =	vmul.f32 v15, v5;
	v21 =	vmul.f32 v10, v5;
	v9 =	vld [tilespmem:s21+$0x10]  }
0x112: {  	v13 =	vmul.f32 v18, v4;
	v10 =	vld [tilespmem:s21+$0xFFFFFFE0];
	[tilespmem:s21+$0x0] =	vst v20;
	v18 =	vmul.f32 v11, v5  }
0x113: {  	v17 =	vmul.f32 v17, v5;
	v11 =	vmul.f32 v19, v4;
	v15 =	vld [tilespmem:s21+$0xFFFFFFC0];
	[tilespmem:s21+$0x50] =	vst v21  }
0x114: {  	[tilespmem:s19+$0x60] =	vst v18  }
0x115: {  	[tilespmem:s19+$0x20] =	vst v16  }
0x116: {  	[tilespmem:s19+$0x30] =	vst v12  }
0x117: {  	[tilespmem:s19+$0xFFFFFF80] =	vst v13  }
0x118: {  	v3 =	vmul.f32 v3, v4;
	[tilespmem:s19+$0x70] =	vst v17  }
0x119: {  	v6 =	vmul.f32 v6, v4;
	[tilespmem:s19+$0xFFFFFFA0] =	vst v11  }
0x11a: {  	[tilespmem:s19+$0xFFFFFFF0] =	vst v3;
	v3 =	vmul.f32 v7, v5  }
0x11b: {  	[tilespmem:s19+$0xFFFFFFD0] =	vst v6;
	v6 =	vmul.f32 v14, v4  }
0x11c: {  	v5 =	vmul.f32 v9, v5;
	[tilespmem:s19+$0x40] =	vst v3  }
0x11d: {  	v7 =	vmul.f32 v15, v4;
	[tilespmem:s19+$0xFFFFFFB0] =	vst v6  }
0x11e: {  	v3 =	vmul.f32 v10, v4;
	[tilespmem:s19+$0x10] =	vst v5  }
0x11f: {  	v4 =	vmul.f32 v8, v4;
	[tilespmem:s19+$0xFFFFFFC0] =	vst v7  }
0x120: {  	[tilespmem:s19+$0xFFFFFFE0] =	vst v3  }
0x121: {  	p0 =	seq.s32 s14, $0x7;
	[tilespmem:s19+$0xFFFFFF90] =	vst v4  }
0x122: {  	[spmem:s3] =	stream.indirect.scatter.add.f32 [tilespmem:s25], [sflag:$0x3], $0x80, s16, s29, $0xb8;
	[tilespmem:$0x1FDC0] =	vst v63  }
0x123: {  	s16 =	sshll.u32 @!p0 s14, $0x9;
	_ =	swait.ge [sflag:s7], $0x2000  }
0x124: {  	s17 =	simm.s32 @!p0 $0x40;
	s16 =	sshra.s32 @!p0 s16, $0x2;
	[sflag:s7] =	ssyncset.done $0x0  }
0x125: {  	s19 =	simm.s32 @!p0 $0x81C0;
	s16 =	sadd.s32 @!p0 $0x4EB0, s16;
	[sflag:s7] =	ssyncadd.s32 $0xFFFFE000  }
0x126: {  	[tilespmem:s19], [sflag:$0x1] =	stream.indirect.gather @!p0 [hbm4b:s22+s17], $0x80, s16, s17, $0xb8;
	[tilespmem:$0x1FDC0] =	vst v63  }
0x127: {  	_ =	swait.ge [sflag:s8], $0x2000  }
0x128: {  	[sflag:s8] =	ssyncset.done $0x0  }
0x129: {  	[sflag:s8] =	ssyncadd.s32 $0xFFFFE000  }
0x12a: {  	v3 =	vld [tilespmem:s15+$0x4E30]  }
0x12b: {  	v4 =	vld [tilespmem:s15+$0x5230];
	_ =	sdelay $0x6  }
0x12c: {  	v3 =	vld.idx.msk [tilespmem:v3+s4+$0x0], $0xffff  }
0x12d: {  	v5 =	vld.idx.msk [tilespmem:v4+s24+$0x0], $0xffff;
	_ =	sdelay $0x4  }
0x12e: {  	v3 =	vadd.f32 v5, v3;
	_ =	sdelay $0x1  }
0x12f: {  	v5 =	vmul.f32 $2.000000030e-01, v3  }
0x130: {  	vm2 =	vge.f32 v3, $0.0e+00  }
0x131: {  	v3 =	vsel vm2, v3, v5  }
0x132: {  	v3 =	vmul.f32 $1.442695020e+00, v3;
	_ =	sdelay $0x1  }
0x133: {  	(erf) = vpow2.f32 v3;
	_ =	sdelay $0x8  }
0x134: {  	v4 =	vxor.u32 $0x80000000, v4;
	v3 =	vpop (erf)  }
0x135: {  	(xrf1) =	vsort.ascd.msk.u32 $0xffff, v4, v3;
	_ =	sdelay $0xd  }
0x136: {  	v4, v5, _ =	vpop (xrf1)  }
0x137: {  	(xrf2) =	vadd.scan.msk.f32 $0xffff, v5;
	_ =	sdelay $0x3  }
0x138: {  	[tilespmem:s15+$0x5630] =	vst v3;
	v3 =	vxor.u32 $0x80000000, v4  }
0x139: {  	[tilespmem:$0x5A30] =	vst v3  }
0x13a: {  	v4 =	vld.idx.msk [tilespmem:v1+s1+$0x0], $0xffff;
	_ =	sdelay $0x3  }
0x13b: {  	v6, _, _ =	vpop (xrf2)  }
0x13c: {  	v7 =	vld.idx.msk [tilespmem:v2+s1+$0x0], $0xffff;
	vm2 =	vne.s32 v3, v4;
	v4 =	vsub.f32 v6, v5  }
0x13d: {  	vm2 =	vmor vm2, vm0  }
0x13e: {  	v4 =	vnsel vm2, $0xFF61B1E6, v4  }
0x13f: {  	(xrf0) =	vmax.scan.msk.f32 $0xffff, v4;
	_ =	sdelay $0x1  }
0x140: {  	vm2 =	vne.s32 v3, v7  }
0x141: {  	vm2 =	vmor vm2, vm1;
	_ =	sdelay $0x2  }
0x142: {  	v4, _, _ =	vpop (xrf0)  }
0x143: {  	v4 =	vsub.f32 v6, v4;
	_ =	sdelay $0x1  }
0x144: {  	[tilespmem:v3+s0+$0x0] =	vst.idx.add.f32.msk vm2, v4  }
0x145: {  	v3 =	vld [tilespmem:s15+$0x4E40]  }
0x146: {  	v4 =	vld [tilespmem:s15+$0x5240];
	_ =	sdelay $0x6  }
0x147: {  	v3 =	vld.idx.msk [tilespmem:v3+s4+$0x0], $0xffff  }
0x148: {  	v5 =	vld.idx.msk [tilespmem:v4+s24+$0x0], $0xffff;
	_ =	sdelay $0x4  }
0x149: {  	v3 =	vadd.f32 v5, v3;
	_ =	sdelay $0x1  }
0x14a: {  	v5 =	vmul.f32 $2.000000030e-01, v3  }
0x14b: {  	vm2 =	vge.f32 v3, $0.0e+00  }
0x14c: {  	v3 =	vsel vm2, v3, v5  }
0x14d: {  	v3 =	vmul.f32 $1.442695020e+00, v3;
	_ =	sdelay $0x1  }
0x14e: {  	(erf) = vpow2.f32 v3;
	_ =	sdelay $0x8  }
0x14f: {  	v4 =	vxor.u32 $0x80000000, v4;
	v3 =	vpop (erf)  }
0x150: {  	(xrf1) =	vsort.ascd.msk.u32 $0xffff, v4, v3;
	_ =	sdelay $0xd  }
0x151: {  	v4, v5, _ =	vpop (xrf1)  }
0x152: {  	(xrf2) =	vadd.scan.msk.f32 $0xffff, v5;
	_ =	sdelay $0x3  }
0x153: {  	[tilespmem:s15+$0x5640] =	vst v3;
	v3 =	vxor.u32 $0x80000000, v4  }
0x154: {  	[tilespmem:$0x5A30] =	vst v3  }
0x155: {  	v4 =	vld.idx.msk [tilespmem:v1+s1+$0x0], $0xffff;
	_ =	sdelay $0x3  }
0x156: {  	v6, _, _ =	vpop (xrf2)  }
0x157: {  	v7 =	vld.idx.msk [tilespmem:v2+s1+$0x0], $0xffff;
	vm2 =	vne.s32 v3, v4;
	v4 =	vsub.f32 v6, v5  }
0x158: {  	vm2 =	vmor vm2, vm0  }
0x159: {  	v4 =	vnsel vm2, $0xFF61B1E6, v4  }
0x15a: {  	(xrf0) =	vmax.scan.msk.f32 $0xffff, v4;
	_ =	sdelay $0x1  }
0x15b: {  	vm2 =	vne.s32 v3, v7  }
0x15c: {  	vm2 =	vmor vm2, vm1;
	_ =	sdelay $0x2  }
0x15d: {  	v4, _, _ =	vpop (xrf0)  }
0x15e: {  	v4 =	vsub.f32 v6, v4;
	_ =	sdelay $0x1  }
0x15f: {  	[tilespmem:v3+s0+$0x0] =	vst.idx.add.f32.msk vm2, v4  }
0x160: {  	v3 =	vld [tilespmem:s15+$0x4E50]  }
0x161: {  	v4 =	vld [tilespmem:s15+$0x5250];
	_ =	sdelay $0x6  }
0x162: {  	v3 =	vld.idx.msk [tilespmem:v3+s4+$0x0], $0xffff  }
0x163: {  	v5 =	vld.idx.msk [tilespmem:v4+s24+$0x0], $0xffff;
	_ =	sdelay $0x4  }
0x164: {  	v3 =	vadd.f32 v5, v3;
	_ =	sdelay $0x1  }
0x165: {  	v5 =	vmul.f32 $2.000000030e-01, v3  }
0x166: {  	vm2 =	vge.f32 v3, $0.0e+00  }
0x167: {  	v3 =	vsel vm2, v3, v5  }
0x168: {  	v3 =	vmul.f32 $1.442695020e+00, v3;
	_ =	sdelay $0x1  }
0x169: {  	(erf) = vpow2.f32 v3;
	_ =	sdelay $0x8  }
0x16a: {  	v4 =	vxor.u32 $0x80000000, v4;
	v3 =	vpop (erf)  }
0x16b: {  	(xrf1) =	vsort.ascd.msk.u32 $0xffff, v4, v3;
	_ =	sdelay $0xd  }
0x16c: {  	v4, v5, _ =	vpop (xrf1)  }
0x16d: {  	(xrf2) =	vadd.scan.msk.f32 $0xffff, v5;
	_ =	sdelay $0x3  }
0x16e: {  	[tilespmem:s15+$0x5650] =	vst v3;
	v3 =	vxor.u32 $0x80000000, v4  }
0x16f: {  	[tilespmem:$0x5A30] =	vst v3  }
0x170: {  	v4 =	vld.idx.msk [tilespmem:v1+s1+$0x0], $0xffff;
	_ =	sdelay $0x3  }
0x171: {  	v6, _, _ =	vpop (xrf2)  }
0x172: {  	v7 =	vld.idx.msk [tilespmem:v2+s1+$0x0], $0xffff;
	vm2 =	vne.s32 v3, v4;
	v4 =	vsub.f32 v6, v5  }
0x173: {  	vm2 =	vmor vm2, vm0  }
0x174: {  	v4 =	vnsel vm2, $0xFF61B1E6, v4  }
0x175: {  	(xrf0) =	vmax.scan.msk.f32 $0xffff, v4;
	_ =	sdelay $0x1  }
0x176: {  	vm2 =	vne.s32 v3, v7  }
0x177: {  	vm2 =	vmor vm2, vm1;
	_ =	sdelay $0x2  }
0x178: {  	v4, _, _ =	vpop (xrf0)  }
0x179: {  	v4 =	vsub.f32 v6, v4;
	_ =	sdelay $0x1  }
0x17a: {  	[tilespmem:v3+s0+$0x0] =	vst.idx.add.f32.msk vm2, v4  }
0x17b: {  	v3 =	vld [tilespmem:s15+$0x4E60]  }
0x17c: {  	v4 =	vld [tilespmem:s15+$0x5260];
	_ =	sdelay $0x6  }
0x17d: {  	v3 =	vld.idx.msk [tilespmem:v3+s4+$0x0], $0xffff  }
0x17e: {  	v5 =	vld.idx.msk [tilespmem:v4+s24+$0x0], $0xffff;
	_ =	sdelay $0x4  }
0x17f: {  	v3 =	vadd.f32 v5, v3;
	_ =	sdelay $0x1  }
0x180: {  	v5 =	vmul.f32 $2.000000030e-01, v3  }
0x181: {  	vm2 =	vge.f32 v3, $0.0e+00  }
0x182: {  	v3 =	vsel vm2, v3, v5  }
0x183: {  	v3 =	vmul.f32 $1.442695020e+00, v3;
	_ =	sdelay $0x1  }
0x184: {  	(erf) = vpow2.f32 v3;
	_ =	sdelay $0x8  }
0x185: {  	v4 =	vxor.u32 $0x80000000, v4;
	v3 =	vpop (erf)  }
0x186: {  	(xrf1) =	vsort.ascd.msk.u32 $0xffff, v4, v3;
	_ =	sdelay $0xd  }
0x187: {  	v4, v5, _ =	vpop (xrf1)  }
0x188: {  	(xrf2) =	vadd.scan.msk.f32 $0xffff, v5;
	_ =	sdelay $0x3  }
0x189: {  	[tilespmem:s15+$0x5660] =	vst v3;
	v3 =	vxor.u32 $0x80000000, v4  }
0x18a: {  	[tilespmem:$0x5A30] =	vst v3  }
0x18b: {  	v4 =	vld.idx.msk [tilespmem:v1+s1+$0x0], $0xffff;
	_ =	sdelay $0x3  }
0x18c: {  	v6, _, _ =	vpop (xrf2)  }
0x18d: {  	v7 =	vld.idx.msk [tilespmem:v2+s1+$0x0], $0xffff;
	vm2 =	vne.s32 v3, v4;
	v4 =	vsub.f32 v6, v5  }
0x18e: {  	vm2 =	vmor vm2, vm0  }
0x18f: {  	v4 =	vnsel vm2, $0xFF61B1E6, v4  }
0x190: {  	(xrf0) =	vmax.scan.msk.f32 $0xffff, v4;
	_ =	sdelay $0x1  }
0x191: {  	vm2 =	vne.s32 v3, v7  }
0x192: {  	vm2 =	vmor vm2, vm1;
	_ =	sdelay $0x2  }
0x193: {  	v4, _, _ =	vpop (xrf0)  }
0x194: {  	v4 =	vsub.f32 v6, v4;
	_ =	sdelay $0x1  }
0x195: {  	s16 =	simm.s32 $0xA240;
	[tilespmem:v3+s0+$0x0] =	vst.idx.add.f32.msk vm2, v4  }
0x196: {  	v10 =	vld [tilespmem:s16+$0xFFFFFFF0]  }
0x197: {  	s20 =	sadd.s32 $0xFFFFFFC0, s13;
	v8 =	vld [tilespmem:s16+$0x20]  }
0x198: {  	s21 =	sadd.s32 $0x81, s20;
	v9 =	vld [tilespmem:s16+$0x50]  }
0x199: {  	s17 =	sadd.s32 $0x80, s20;
	v4 =	vmov s21;
	v11 =	vld [tilespmem:s16+$0x70]  }
0x19a: {  	v3 =	vmov s17;
	v6 =	vld [tilespmem:s16+$0x10]  }
0x19b: {  	v3 =	vand.u32 $0xFFFFFFFE, v3;
	v7 =	vld [tilespmem:s16+$0x0]  }
0x19c: {  	v12 =	vld [tilespmem:s16+$0x40];
	v5 =	vbroadcast v3, $0x0  }
0x19d: {  	v16 =	vld [tilespmem:s16+$0xFFFFFFD0]  }
0x19e: {  	v4 =	vld.idx.msk [tilespmem:v4+s6+$0x0], $0xffff  }
0x19f: {  	v14 =	vld [tilespmem:s16+$0xFFFFFF80]  }
0x1a0: {  	v18 =	vld [tilespmem:s16+$0xFFFFFFA0]  }
0x1a1: {  	v3 =	vld [tilespmem:s16+$0x60]  }
0x1a2: {  	v5 =	vld.idx.msk [tilespmem:v5+s6+$0x0], $0xffff  }
0x1a3: {  	v13 =	vmul.f32 v7, v4;
	v7 =	vld [tilespmem:s16+$0xFFFFFFE0]  }
0x1a4: {  	v19 =	vmul.f32 v6, v4;
	v6 =	vld [tilespmem:s16+$0xFFFFFFB0]  }
0x1a5: {  	v20 =	vmul.f32 v8, v4;
	v17 =	vmul.f32 v9, v4;
	v9 =	vld [tilespmem:s16+$0xFFFFFF90]  }
0x1a6: {  	v15 =	vmul.f32 v11, v4;
	[tilespmem:s16+$0x0] =	vst v13;
	v13 =	vmul.f32 v12, v4;
	v12 =	vld [tilespmem:s16+$0xFFFFFFC0]  }
0x1a7: {  	v8 =	vld [tilespmem:s16+$0x30];
	[tilespmem:s16+$0x20] =	vst v20;
	v11 =	vmul.f32 v14, v5;
	v14 =	vmul.f32 v10, v5  }
0x1a8: {  	s19 =	simm.s32 $0xFFFFFFC2;
	s20 =	simm.s32 $0xA240;
	s15 =	sadd.s32 $0x5230, s15;
	[tilespmem:s16+$0x10] =	vst v19;
	v10 =	vmul.f32 v18, v5;
	v16 =	vmul.f32 v16, v5  }
.LBB2_10:
0x1a9: {  	p0 =	sne.s32 s19, $0xFFFFFFFE  }
0x1aa: {  	v9 =	vmul.f32 v9, v5;
	v7 =	vmul.f32 v7, v5;
	[tilespmem:s16+$0x70] =	vst v15;
	s20 =	sadd.s32 $0x100, s20;
	s17 =	smov.u32 s19;
	s19 =	sadd.s32 $0x2, s19  }
0x1ab: {  	v6 =	vmul.f32 v6, v5;
	v5 =	vmul.f32 v12, v5;
	[tilespmem:s16+$0x50] =	vst v17  }
0x1ac: {  	v3 =	vmul.f32 v3, v4;
	v8 =	vmul.f32 v8, v4;
	[tilespmem:s16+$0x40] =	vst v13  }
0x1ad: {  	[tilespmem:s16+$0xFFFFFFF0] =	vst v14  }
0x1ae: {  	v14 =	vld [tilespmem:s20+$0xFFFFFFF0];
	[tilespmem:s16+$0xFFFFFF80] =	vst v11  }
0x1af: {  	v11 =	vld [tilespmem:s20+$0x20];
	[tilespmem:s16+$0xFFFFFFD0] =	vst v16  }
0x1b0: {  	s17 =	sadd.s32 s17, s13;
	v16 =	vld [tilespmem:s20+$0x50];
	[tilespmem:s16+$0xFFFFFFA0] =	vst v10  }
0x1b1: {  	s21 =	sadd.s32 $0x80, s17;
	s17 =	sadd.s32 $0x81, s17;
	v10 =	vld [tilespmem:s20+$0x70];
	[tilespmem:s16+$0x60] =	vst v3  }
0x1b2: {  	v4 =	vmov s17;
	v3 =	vmov s21;
	v12 =	vld [tilespmem:s20+$0x10];
	[tilespmem:s16+$0xFFFFFFB0] =	vst v6  }
0x1b3: {  	v3 =	vand.u32 $0xFFFFFFFE, v3;
	v13 =	vld [tilespmem:s20+$0x0];
	[tilespmem:s16+$0xFFFFFFC0] =	vst v5  }
0x1b4: {  	v5 =	vbroadcast v3, $0x0;
	v3 =	vld [tilespmem:s20+$0x60];
	[tilespmem:s16+$0xFFFFFFE0] =	vst v7  }
0x1b5: {  	v17 =	vld [tilespmem:s20+$0x40];
	[tilespmem:s16+$0x30] =	vst v8  }
0x1b6: {  	v18 =	vld [tilespmem:s20+$0xFFFFFFD0];
	[tilespmem:s16+$0xFFFFFF90] =	vst v9;
	s16 =	smov.u32 s20  }
0x1b7: {  	v4 =	vld.idx.msk [tilespmem:v4+s6+$0x0], $0xffff  }
0x1b8: {  	v19 =	vld [tilespmem:s20+$0xFFFFFF80]  }
0x1b9: {  	v6 =	vld [tilespmem:s20+$0xFFFFFFB0]  }
0x1ba: {  	v5 =	vld.idx.msk [tilespmem:v5+s6+$0x0], $0xffff  }
0x1bb: {  	v20 =	vld [tilespmem:s20+$0xFFFFFFA0]  }
0x1bc: {  	v7 =	vld [tilespmem:s20+$0xFFFFFFE0]  }
.Ltmp3:
0x1bd: {  	v8 =	vmul.f32 v13, v4;
	v21 =	vmul.f32 v12, v4;
	v9 =	vld [tilespmem:s20+$0xFFFFFF90];
	(pc) =	sbr.rel @p0 .LBB2_10-.Ltmp3, $4  }
0x1be: {  	v22 =	vmul.f32 v11, v4;
	v15 =	vmul.f32 v10, v4;
	v12 =	vld [tilespmem:s20+$0xFFFFFFC0]  }
0x1bf: {  	v13 =	vmul.f32 v17, v4;
	v17 =	vmul.f32 v16, v4;
	[tilespmem:s20+$0x0] =	vst v8;
	v8 =	vld [tilespmem:s20+$0x30]  }
0x1c0: {  	v11 =	vmul.f32 v19, v5;
	v14 =	vmul.f32 v14, v5;
	[tilespmem:s20+$0x20] =	vst v22  }
0x1c1: {  	v16 =	vmul.f32 v18, v5;
	v10 =	vmul.f32 v20, v5;
	[tilespmem:s20+$0x10] =	vst v21  }
0x1c2: {  	[tilespmem:s16+$0x70] =	vst v15  }
0x1c3: {  	[tilespmem:s16+$0x50] =	vst v17  }
0x1c4: {  	[tilespmem:s16+$0x40] =	vst v13  }
0x1c5: {  	[tilespmem:s16+$0xFFFFFFF0] =	vst v14  }
0x1c6: {  	[tilespmem:s16+$0xFFFFFF80] =	vst v11  }
0x1c7: {  	v3 =	vmul.f32 v3, v4;
	[tilespmem:s16+$0xFFFFFFD0] =	vst v16  }
0x1c8: {  	v6 =	vmul.f32 v6, v5;
	[tilespmem:s16+$0xFFFFFFA0] =	vst v10  }
0x1c9: {  	v63 =	vmul.f32 v9, v5;
	s14 =	sadd.s32 $0x1, s14;
	[tilespmem:s16+$0x60] =	vst v3  }
0x1ca: {  	v61 =	vmul.f32 v12, v5;
	p0 =	sne.s32 s14, $0x8;
	[tilespmem:s16+$0xFFFFFFB0] =	vst v6  }
.Ltmp4:
0x1cb: {  	v3 =	vmul.f32 v7, v5;
	[tilespmem:s16+$0xFFFFFF90] =	vst v63;
	(pc) =	sbr.rel @p0 .LBB2_7-.Ltmp4, $4  }
0x1cc: {  	v62 =	vmul.f32 v8, v4;
	[tilespmem:s16+$0xFFFFFFC0] =	vst v61  }
0x1cd: {  	[tilespmem:s16+$0xFFFFFFE0] =	vst v3  }
0x1ce: {  	s13 =	sadd.s32 $0x80, s13;
	[tilespmem:s16+$0x30] =	vst v62  }
0x1cf: {  	[spmem:s3] =	stream.indirect.scatter.add.f32 [tilespmem:s30], [sflag:$0x4], $0x80, s15, s29, $0xb8;
	[tilespmem:$0x1FDC0] =	vst v63  }
0x1d0: {  	s12 =	sadd.s32 $0x1, s12  }
0x1d1: {  	p0 =	sne.s32 s12, $0xA  }
.Ltmp5:
0x1d2: {  	_ = 	snop;
	(pc) =	sbr.rel @p0 .LBB2_6-.Ltmp5, $4  }
0x1d3: {  	_ = 	snop  }
0x1d4: {  	_ =	swait.ge [sflag:s9], $0x2000  }
0x1d5: {  	[sflag:s9] =	ssyncset.done $0x0  }
0x1d6: {  	[sflag:s9] =	ssyncadd.s32 $0xFFFFE000  }
0x1d7: {  	s11 =	rddreg [dreg:$0x10]  }
0x1d8: {  	[hbm4b:s11+s4] =	stream.linear.scatter [tilespmem:s0], [sflag:$0x5], $0x2780, $0x38;
	[tilespmem:$0x1FDC0] =	vst v63  }
0x1d9: {  	_ =	swait.ge [sflag:s23], $0x2780  }
0x1da: {  	[sflag:s23] =	ssyncset.done $0x0  }
0x1db: {  	[sflag:s23] =	ssyncadd.s32 $0xFFFFD880  }
0x1dc: {  	s20 =	stileid.u32;
	[bflag:$0x0] =	sbarrier.arrive $0xFFFF  }
0x1dd: {  	s11 =	sshll.u32 s20, $0x6;
	s13 =	rddreg [dreg:$0xf]  }
0x1de: {  	s11 =	sor.u32 $0x1C05, s11;
	s14 =	rddreg [dreg:$0x11];
	s12 =	sshrl.u32 s13, $0x3  }
0x1df: {  	[hbm:s14], [sflag:s11] =	dma.local [spmem:s12], $0x2780  }
0x1e0: {  	_ =	swait.ge [sflag:s23], $0x2780  }
0x1e1: {  	s10 =	sadd.s32 $0x1, s10;
	s21 =	rddreg [dreg:$0x12]  }
0x1e2: {  	p0 =	sne.s32 s10, s21  }
.Ltmp6:
0x1e3: {  	_ = 	snop;
	(pc) =	sbr.rel @p0 .LBB2_1-.Ltmp6, $3  }
0x1e4: {  	_ =	sdelay $0x1  }
0x1e5: {  	[sflag:s23] =	ssyncset.done $0x0  }
0x1e6: {  	[sflag:s23] =	ssyncadd.s32 $0xFFFFD880  }
0x1e7: {  	_ =	sfence.sel $0x180000  }
0x1e8: {  	[bflag:$0x0] =	sbarrier.arrive $0xFFFF  }
0x1e9: {  	_ =	strace $0x90000047  }
0x1ea: {  	s0 =	stileid.u32;
	[bflag:$0x2] =	sbarrier.arrive $0xFFFF  }
0x1eb: {  	p0 =	sne.s32 s0, $0x0;
	s0 =	rddreg [dreg:$0x3]  }
0x1ec: {  	s0 =	sadd.s32 @!p0 $0x100000, s0  }
0x1ed: {  	[sflag:s0] =	ssyncadd.tile.s32 @!p0 $0x1;
	_ =	shalt  }
.Lfunc_end2:
_tile_overlayer_lowered:
.L_overlay_start_2:
0x1ee: {  	(tag) =	ssettag $0x2  }
0x1ef: {  	s0 =	rddreg [dreg:$0x0];
	s2 =	stileid.u32  }
0x1f0: {  	s1 =	rddreg [dreg:$0x1];
	p0 =	sne.s32 s2, $0x0  }
0x1f1: {  	s3 =	rddreg [dreg:$0x2];
	[bflag:$0x3] =	sbarrier.arrive $0xFFFF;
	s2 =	simm.s32 @!p0 $0x1C05  }
0x1f2: {  	[timem:s3], [sflag:s2] =	dma.local @!p0 [hbm:s0], s1  }
0x1f3: {  	s0 =	simm.s32 @!p0 $0x5  }
0x1f4: {  	_ =	swait.ge @!p0 [sflag:s0], s1  }
0x1f5: {  	s1 =	ssub.s32 @!p0 $0x0, s1;
	[sflag:s0] =	ssyncset.done @!p0 $0x0  }
0x1f6: {  	[sflag:s0] =	ssyncadd.s32 @!p0 s1  }
0x1f7: {  	[bflag:$0x3] =	sbarrier.arrive $0xFFFF  }
0x1f8: {  	_ =	shalt  }

</sc_bundles>
